<compile_context>
chip_gen: v7x
topology: tpu7x:2x2x1
jax: 0.10.2.dev20260603
libtpu: 0.0.44.dev20260713+nightly
codegen_flags: <defaults>
</compile_context>

<pallas_src>
import functools

import jax
import jax.numpy as jnp
from jax import lax
from jax.experimental import pallas as pl
from jax.experimental.pallas import tpu as pltpu
from jax.experimental.pallas import tpu_sc as plsc

_T = 8192
_D = 2048
_E = 64
_TOP_K = 8
_N_GROUPS = 8
_EPG = _E // _N_GROUPS
_TOPK_GROUPS = 4
_SCALE = 2.5

_BLK_T = 1024
_NEG = -1e30

_SC_T = 2048
_TC_T = _T - _SC_T

_NC = 2
_NS = 16
_NW = _NC * _NS
_TPW = _SC_T // _NW
_PAIRS = _TPW // 2




def _score_block(x_ref, w_ref, o_ref):
    o_ref[...] = jax.nn.sigmoid(
        jnp.dot(x_ref[...], w_ref[...], preferred_element_type=jnp.float32))


def _router_block(x_ref, w_ref, b_ref, wts_ref, idx_ref):
    x = x_ref[...]
    w = w_ref[...]
    scores = jax.nn.sigmoid(jnp.dot(x, w, preferred_element_type=jnp.float32))
    st = jnp.transpose(scores)
    bt = st + b_ref[...]
    B = st.shape[1]

    st3 = jnp.reshape(st, (_N_GROUPS, _EPG, B))
    bt3 = jnp.reshape(bt, (_N_GROUPS, _EPG, B))
    riota = lax.broadcasted_iota(jnp.int32, (_EPG, B), 0)

    gsums = []
    for g in range(_N_GROUPS):
        sg = bt3[g]
        m1 = jnp.max(sg, axis=0, keepdims=True)
        i1 = jnp.min(jnp.where(sg == m1, riota, _EPG), axis=0, keepdims=True)
        m2 = jnp.max(jnp.where(riota == i1, _NEG, sg), axis=0, keepdims=True)
        gsums.append(m1 + m2)

    gs = jnp.concatenate(gsums, axis=0)
    giota = lax.broadcasted_iota(jnp.int32, (_N_GROUPS, B), 0)
    keep = jnp.zeros((_N_GROUPS, B), dtype=jnp.bool_)
    for _ in range(_TOPK_GROUPS):
        best = jnp.max(gs, axis=0, keepdims=True)
        cg = jnp.min(jnp.where(gs == best, giota, _N_GROUPS), axis=0,
                     keepdims=True)
        keep = keep | (giota == cg)
        gs = jnp.where(giota == cg, _NEG, gs)

    eidx = (lax.broadcasted_iota(jnp.int32, (_N_GROUPS, _EPG, B), 0) * _EPG
            + lax.broadcasted_iota(jnp.int32, (_N_GROUPS, _EPG, B), 1))
    keep3 = jnp.reshape(keep, (_N_GROUPS, 1, B))
    masked = jnp.where(keep3, bt3, 0.0)

    w_rows = []
    i_rows = []
    for _ in range(_TOP_K):
        m8 = jnp.max(masked, axis=1)
        m = jnp.max(m8, axis=0, keepdims=True)
        is_m = masked == jnp.reshape(m, (1, 1, B))
        ik8 = jnp.min(jnp.where(is_m, eidx, _E), axis=1)
        ik = jnp.min(ik8, axis=0, keepdims=True)
        sel = eidx == jnp.reshape(ik, (1, 1, B))
        wk8 = jnp.max(jnp.where(sel, st3, _NEG), axis=1)
        wk = jnp.max(wk8, axis=0, keepdims=True)
        masked = jnp.where(sel, _NEG, masked)
        w_rows.append(wk)
        i_rows.append(ik)

    wt = jnp.concatenate(w_rows, axis=0)
    it = jnp.concatenate(i_rows, axis=0)
    s = jnp.sum(wt, axis=0, keepdims=True)
    wt = wt * (_SCALE / (s + 1e-20))

    wts_ref[...] = jnp.transpose(wt)
    idx_ref[...] = jnp.transpose(it)




def _shuf(v, perm):
    return lax.gather(
        v, perm[:, None],
        dimension_numbers=lax.GatherDimensionNumbers(
            offset_dims=(), collapsed_slice_dims=(0,), start_index_map=(0,)),
        slice_sizes=(1,),
        mode=lax.GatherScatterMode.PROMISE_IN_BOUNDS)


def _route_sc_body(scores_hbm, bias_hbm, wout_hbm, iout_hbm,
                   sc_v, bias_v, w_v, i_v):
    wid = lax.axis_index("s") * _NC + lax.axis_index("c")
    base = wid * _TPW
    pltpu.sync_copy(scores_hbm.at[pl.ds(base, _TPW), :], sc_v)
    pltpu.sync_copy(bias_hbm, bias_v)

    lane = lax.iota(jnp.int32, 16)
    bias_regs = [bias_v[pl.ds(i * 16, 16)] for i in range(4)]
    neg = jnp.full((16,), _NEG, jnp.float32)

    def token_route(t):
        ss = [sc_v[t, pl.ds(i * 16, 16)] for i in range(4)]
        bs = [s + b for s, b in zip(ss, bias_regs)]

        gsums = []
        for i in range(4):
            m1 = bs[i]
            m2 = neg
            for d in (1, 2, 4):
                perm = lane ^ d
                pm1 = _shuf(m1, perm)
                pm2 = _shuf(m2, perm)
                lo = jnp.minimum(m1, pm1)
                m1 = jnp.maximum(m1, pm1)
                m2 = jnp.maximum(lo, jnp.maximum(m2, pm2))
            gsums.append(m1 + m2)

        gs = neg
        for i in range(4):
            bi = _shuf(gsums[i], (lane & 1) * 8)
            gs = jnp.where((lane >> 1) == i, bi, gs)

        _, gsv = plsc.sort_key_val(gs, lane, descending=True)
        sel = [_shuf(gsv, jnp.full((16,), k, jnp.int32)) for k in range(4)]

        sorted_kv = []
        for i in range(4):
            gid = 2 * i + (lane >> 3)
            keep = ((gid == sel[0]) | (gid == sel[1])
                    | (gid == sel[2]) | (gid == sel[3]))
            masked = jnp.where(keep, bs[i], 0.0)
            sorted_kv.append(
                plsc.sort_key_val(masked, lane + 16 * i, descending=True))

        def merge(a, b):
            ka, va = a
            kb, vb = b
            kab = jnp.where(lane < 8, ka, _shuf(kb, lane & 7))
            vab = jnp.where(lane < 8, va, _shuf(vb, lane & 7))
            return plsc.sort_key_val(kab, vab, descending=True)

        _, mv = merge(merge(sorted_kv[0], sorted_kv[1]),
                      merge(sorted_kv[2], sorted_kv[3]))

        tvec = jnp.full((16,), t, jnp.int32)
        wv = plsc.load_gather(sc_v, [tvec, mv])
        wm = jnp.where(lane < 8, wv, 0.0)
        tot = lax.broadcast(jnp.sum(wm), (16,))
        wout = wm * (_SCALE / (tot + 1e-20))
        return wout, mv

    def pair_body(j, carry):
        w0, i0 = token_route(2 * j)
        w1, i1 = token_route(2 * j + 1)
        pw = jnp.where(lane < 8, w0, _shuf(w1, lane & 7))
        pi = jnp.where(lane < 8, i0, _shuf(i1, lane & 7))
        w_v[pl.ds(j * 16, 16)] = pw
        i_v[pl.ds(j * 16, 16)] = pi
        return carry

    lax.fori_loop(0, _PAIRS, pair_body, 0)

    pltpu.sync_copy(w_v, wout_hbm.at[pl.ds(base * _TOP_K, _TPW * _TOP_K)])
    pltpu.sync_copy(i_v, iout_hbm.at[pl.ds(base * _TOP_K, _TPW * _TOP_K)])


_route_sc = functools.partial(
    pl.kernel,
    mesh=plsc.VectorSubcoreMesh(core_axis_name="c", subcore_axis_name="s"),
    compiler_params=pltpu.CompilerParams(needs_layout_passes=False),
    out_type=[
        jax.ShapeDtypeStruct((_SC_T * _TOP_K,), jnp.float32),
        jax.ShapeDtypeStruct((_SC_T * _TOP_K,), jnp.int32),
    ],
    scratch_types=[
        pltpu.VMEM((_TPW, _E), jnp.float32),
        pltpu.VMEM((_E,), jnp.float32),
        pltpu.VMEM((_TPW * _TOP_K,), jnp.float32),
        pltpu.VMEM((_TPW * _TOP_K,), jnp.int32),
    ],
)(_route_sc_body)


@jax.jit
def kernel(x, kernel_DE, bias_E):
    x = jnp.asarray(x, jnp.float32)
    bias_2d = jnp.reshape(bias_E, (_E, 1))

    scores_sc = pl.pallas_call(
        _score_block,
        grid=(_SC_T // _BLK_T,),
        in_specs=[
            pl.BlockSpec((_BLK_T, _D), lambda i: (i, 0)),
            pl.BlockSpec((_D, _E), lambda i: (0, 0)),
        ],
        out_specs=pl.BlockSpec((_BLK_T, _E), lambda i: (i, 0)),
        out_shape=jax.ShapeDtypeStruct((_SC_T, _E), jnp.float32),
    )(x, kernel_DE)

    wf, jf = _route_sc(scores_sc, bias_E)

    off = _SC_T // _BLK_T
    wts_tc, idx_tc = pl.pallas_call(
        _router_block,
        grid=(_TC_T // _BLK_T,),
        in_specs=[
            pl.BlockSpec((_BLK_T, _D), lambda i: (i + off, 0)),
            pl.BlockSpec((_D, _E), lambda i: (0, 0)),
            pl.BlockSpec((_E, 1), lambda i: (0, 0)),
        ],
        out_specs=[
            pl.BlockSpec((_BLK_T, _TOP_K), lambda i: (i, 0)),
            pl.BlockSpec((_BLK_T, _TOP_K), lambda i: (i, 0)),
        ],
        out_shape=[
            jax.ShapeDtypeStruct((_TC_T, _TOP_K), jnp.float32),
            jax.ShapeDtypeStruct((_TC_T, _TOP_K), jnp.int32),
        ],
    )(x, kernel_DE, bias_2d)

    wts = jnp.concatenate([jnp.reshape(wf, (_SC_T, _TOP_K)), wts_tc], axis=0)
    idx = jnp.concatenate([jnp.reshape(jf, (_SC_T, _TOP_K)), idx_tc], axis=0)
    return (wts, idx)

# --- scband reference (transcript-rebuilt; emitter-appended) ---
"""Pipeline reference for scband-deep-seek-v3-router-65816078844700 (READ-ONLY COPY).

The authoritative reference and input builder live on the scoring server;
editing this copy changes nothing except your own understanding.
"""

import jax, jax.numpy as jnp
import numpy as np

T = 8192
D = 2048
E = 64
TOP_K = 8
N_GROUPS = 8
TOPK_GROUPS = 4
ROUTED_SCALING_FACTOR = 2.5
NORM_TOPK_PROB = True


def setup_inputs(seed: int = 0) -> dict:
    key = jax.random.key(seed)
    k1, k2, k3 = jax.random.split(key, 3)
    x = jax.random.normal(k1, (T, D), dtype=jnp.float32)
    kernel_DE = jax.random.normal(k2, (D, E), dtype=jnp.float32) * 0.02
    bias_E = jax.random.normal(k3, (E,), dtype=jnp.float32) * 0.01
    return {"x": x, "kernel_DE": kernel_DE, "bias_E": bias_E}


def _get_topk_indices(scores, bias_E):
    scores = scores + bias_E
    if N_GROUPS > 1:
        experts_per_group = E // N_GROUPS
        group_scores = jnp.reshape(scores, (-1, N_GROUPS, experts_per_group))
        group_scores = jax.lax.top_k(group_scores, k=2)[0]
        group_scores = jnp.sum(group_scores, axis=-1)
        indices = jax.lax.top_k(group_scores, k=TOPK_GROUPS)[1]
        mask = jnp.any(jnp.arange(N_GROUPS)[:, None] == indices[..., None, :], axis=-1)
        mask = jnp.repeat(mask, scores.shape[-1] // mask.shape[-1], -1)
        scores = jnp.where(mask, scores, 0.0)
    topk_indices = jax.lax.top_k(scores, k=TOP_K)[1]
    return topk_indices


def reference(x, kernel_DE, bias_E):
    x = jnp.asarray(x, jnp.float32)
    scores_te = jnp.einsum('TD,DE->TE', x, kernel_DE)
    scores_te = jax.nn.sigmoid(scores_te)
    original_scores = scores_te
    topk_indices_tk = _get_topk_indices(scores_te, bias_E)
    weights_tk = jnp.take_along_axis(original_scores, topk_indices_tk, axis=-1)
    if NORM_TOPK_PROB:
        weights_tk = weights_tk / (jnp.sum(weights_tk, axis=-1)[..., None] + 1e-20)
    weights_tk = weights_tk * ROUTED_SCALING_FACTOR
    return (weights_tk, topk_indices_tk)

if __name__ == "__main__":
    import jax
    _d = setup_inputs()
    print(jax.jit(kernel)(*tuple(_d.values())))

</pallas_src>

<mosaic_0001>
#map = affine_map<(d0, d1) -> (0, 0)>
#map1 = affine_map<(d0, d1) -> (0)>
module attributes {stable_mosaic.version = 14 : i64} {
  func.func @_route_sc_body(%arg0: i32, %arg1: i32, %arg2: memref<2048x64xf32, #tpu.memory_space<hbm>>, %arg3: memref<64xf32, #tpu.memory_space<hbm>>, %arg4: memref<16384xf32, #tpu.memory_space<hbm>>, %arg5: memref<16384xi32, #tpu.memory_space<hbm>>, %arg6: memref<64x64xf32, #tpu.memory_space<vmem>>, %arg7: memref<64xf32, #tpu.memory_space<vmem>>, %arg8: memref<512xf32, #tpu.memory_space<vmem>>, %arg9: memref<512xi32, #tpu.memory_space<vmem>>) attributes {dimension_semantics = [#tpu.dimension_semantics<core_parallel>, #tpu.dimension_semantics<subcore_parallel>], iteration_bounds = array<i64: 2, 16>, scalar_prefetch = 0 : i64, scratch_operands = 4 : i64, tpu.core_type = #tpu.core_type<sc_vector_subcore>, window_params = [{transform_indices = #map}, {transform_indices = #map1}, {transform_indices = #map1}, {transform_indices = #map1}]} {
    %mul3A = arith.constant 2 : i32
    %mul3A_0 = arith.muli %arg1, %mul3A : i32
    %add3A = arith.addi %mul3A_0, %arg0 : i32
    %mul3A_1 = arith.constant 64 : i32
    %mul3A_2 = arith.muli %add3A, %mul3A_1 : i32
    "tpu.region"() ({
      %run_scoped3A = tpu.sem_alloc : memref<!tpu.dma_semaphore, #tpu.memory_space<semaphore_mem>>
      %dma_start3A = arith.constant 0 : i32
      %dma_start3A_20 = tpu.memref_slice %arg2[%mul3A_2, %dma_start3A] : memref<2048x64xf32, #tpu.memory_space<hbm>> -> memref<64x64xf32, #tpu.memory_space<hbm>>
      %dma_start3A_21 = arith.constant 0 : i32
      %dma_start3A_22 = tpu.memref_slice %arg2[%mul3A_2, %dma_start3A_21] : memref<2048x64xf32, #tpu.memory_space<hbm>> -> memref<64x64xf32, #tpu.memory_space<hbm>>
      tpu.enqueue_dma source(%dma_start3A_22 : memref<64x64xf32, #tpu.memory_space<hbm>>) target(%arg6 : memref<64x64xf32, #tpu.memory_space<vmem>>) target_semaphore(%run_scoped3A : memref<!tpu.dma_semaphore, #tpu.memory_space<semaphore_mem>>)
      %dma_wait3A = arith.constant 0 : i32
      %dma_wait3A_23 = tpu.memref_slice %arg2[%mul3A_2, %dma_wait3A] : memref<2048x64xf32, #tpu.memory_space<hbm>> -> memref<64x64xf32, #tpu.memory_space<hbm>>
      %dma_wait3A_24 = arith.constant 0 : i32
      %dma_wait3A_25 = tpu.memref_slice %arg2[%mul3A_2, %dma_wait3A_24] : memref<2048x64xf32, #tpu.memory_space<hbm>> -> memref<64x64xf32, #tpu.memory_space<hbm>>
      tpu.wait_dma2 semaphore(%run_scoped3A : memref<!tpu.dma_semaphore, #tpu.memory_space<semaphore_mem>>) src(%dma_wait3A_25 : memref<64x64xf32, #tpu.memory_space<hbm>>) dst(%arg6 : memref<64x64xf32, #tpu.memory_space<vmem>>)
      tpu.yield
    }) : () -> ()
    "tpu.region"() ({
      %run_scoped3A = tpu.sem_alloc : memref<!tpu.dma_semaphore, #tpu.memory_space<semaphore_mem>>
      tpu.enqueue_dma source(%arg3 : memref<64xf32, #tpu.memory_space<hbm>>) target(%arg7 : memref<64xf32, #tpu.memory_space<vmem>>) target_semaphore(%run_scoped3A : memref<!tpu.dma_semaphore, #tpu.memory_space<semaphore_mem>>)
      tpu.wait_dma2 semaphore(%run_scoped3A : memref<!tpu.dma_semaphore, #tpu.memory_space<semaphore_mem>>) src(%arg3 : memref<64xf32, #tpu.memory_space<hbm>>) dst(%arg7 : memref<64xf32, #tpu.memory_space<vmem>>)
      tpu.yield
    }) : () -> ()
    %iota3A = tpu.iota {dimensions = array<i32: 0>} : vector<16xi32>
    %get3A = arith.constant 0 : index
    %get3A_3 = tpu.vector_load %arg7[%get3A] {strides = array<i32>} : memref<64xf32, #tpu.memory_space<vmem>>, vector<16xf32>,
    %get3A_4 = arith.constant 16 : index
    %get3A_5 = tpu.vector_load %arg7[%get3A_4] {strides = array<i32>} : memref<64xf32, #tpu.memory_space<vmem>>, vector<16xf32>,
    %get3A_6 = arith.constant 32 : index
    %get3A_7 = tpu.vector_load %arg7[%get3A_6] {strides = array<i32>} : memref<64xf32, #tpu.memory_space<vmem>>, vector<16xf32>,
    %get3A_8 = arith.constant 48 : index
    %get3A_9 = tpu.vector_load %arg7[%get3A_8] {strides = array<i32>} : memref<64xf32, #tpu.memory_space<vmem>>, vector<16xf32>,
    %broadcast_in_dim3A = arith.constant -1.000000e+30 : f32
    %broadcast_in_dim3A_10 = vector.broadcast %broadcast_in_dim3A : f32 to vector<16xf32>
    %scan3A = arith.constant 0 : i32
    %scan3A_11 = arith.constant 0 : i32
    %scan3A_12 = arith.constant 32 : i32
    %scan3A_13 = arith.addi %scan3A_11, %scan3A_12 : i32
    %scan3A_14 = arith.constant 1 : i32
    scf.for %scan3A_20 = %scan3A_11 to %scan3A_13 step %scan3A_14  : i32 {
      %mul3A_21 = arith.constant 2 : i32
      %mul3A_22 = arith.muli %mul3A_21, %scan3A_20 : i32
      %get3A_23 = arith.index_cast %mul3A_22 : i32 to index
      %get3A_24 = arith.constant 0 : index
      %get3A_25 = tpu.vector_load %arg6[%get3A_23, %get3A_24] {strides = array<i32>} : memref<64x64xf32, #tpu.memory_space<vmem>>, vector<16xf32>,
      %get3A_26 = arith.index_cast %mul3A_22 : i32 to index
      %get3A_27 = arith.constant 16 : index
      %get3A_28 = tpu.vector_load %arg6[%get3A_26, %get3A_27] {strides = array<i32>} : memref<64x64xf32, #tpu.memory_space<vmem>>, vector<16xf32>,
      %get3A_29 = arith.index_cast %mul3A_22 : i32 to index
      %get3A_30 = arith.constant 32 : index
      %get3A_31 = tpu.vector_load %arg6[%get3A_29, %get3A_30] {strides = array<i32>} : memref<64x64xf32, #tpu.memory_space<vmem>>, vector<16xf32>,
      %get3A_32 = arith.index_cast %mul3A_22 : i32 to index
      %get3A_33 = arith.constant 48 : index
      %get3A_34 = tpu.vector_load %arg6[%get3A_32, %get3A_33] {strides = array<i32>} : memref<64x64xf32, #tpu.memory_space<vmem>>, vector<16xf32>,
      %add3A_35 = arith.addf %get3A_25, %get3A_3 : vector<16xf32>
      %add3A_36 = arith.addf %get3A_28, %get3A_5 : vector<16xf32>
      %add3A_37 = arith.addf %get3A_31, %get3A_7 : vector<16xf32>
      %add3A_38 = arith.addf %get3A_34, %get3A_9 : vector<16xf32>
      %xor3A = arith.constant 1 : i32
      %xor3A_39 = vector.broadcast %xor3A : i32 to vector<16xi32>
      %xor3A_40 = arith.xori %iota3A, %xor3A_39 : vector<16xi32>
      %broadcast_in_dim3A_41 = vector.shape_cast %xor3A_40 : vector<16xi32> to vector<16x1xi32>
      %gather3A = vector.shape_cast %broadcast_in_dim3A_41 : vector<16x1xi32> to vector<16xi32>
      %gather3A_42 = tpu.dynamic_gather %add3A_35[%gather3A] in [0] : vector<16xf32>, vector<16xi32> -> vector<16xf32>
      %broadcast_in_dim3A_43 = vector.shape_cast %xor3A_40 : vector<16xi32> to vector<16x1xi32>
      %gather3A_44 = vector.shape_cast %broadcast_in_dim3A_43 : vector<16x1xi32> to vector<16xi32>
      %gather3A_45 = tpu.dynamic_gather %broadcast_in_dim3A_10[%gather3A_44] in [0] : vector<16xf32>, vector<16xi32> -> vector<16xf32>
      %min3A = arith.minimumf %add3A_35, %gather3A_42 : vector<16xf32>
      %max3A = arith.maximumf %add3A_35, %gather3A_42 : vector<16xf32>
      %max3A_46 = arith.maximumf %broadcast_in_dim3A_10, %gather3A_45 : vector<16xf32>
      %max3A_47 = arith.maximumf %min3A, %max3A_46 : vector<16xf32>
      %xor3A_48 = arith.constant 2 : i32
      %xor3A_49 = vector.broadcast %xor3A_48 : i32 to vector<16xi32>
      %xor3A_50 = arith.xori %iota3A, %xor3A_49 : vector<16xi32>
      %broadcast_in_dim3A_51 = vector.shape_cast %xor3A_50 : vector<16xi32> to vector<16x1xi32>
      %gather3A_52 = vector.shape_cast %broadcast_in_dim3A_51 : vector<16x1xi32> to vector<16xi32>
      %gather3A_53 = tpu.dynamic_gather %max3A[%gather3A_52] in [0] : vector<16xf32>, vector<16xi32> -> vector<16xf32>
      %broadcast_in_dim3A_54 = vector.shape_cast %xor3A_50 : vector<16xi32> to vector<16x1xi32>
      %gather3A_55 = vector.shape_cast %broadcast_in_dim3A_54 : vector<16x1xi32> to vector<16xi32>
      %gather3A_56 = tpu.dynamic_gather %max3A_47[%gather3A_55] in [0] : vector<16xf32>, vector<16xi32> -> vector<16xf32>
      %min3A_57 = arith.minimumf %max3A, %gather3A_53 : vector<16xf32>
      %max3A_58 = arith.maximumf %max3A, %gather3A_53 : vector<16xf32>
      %max3A_59 = arith.maximumf %max3A_47, %gather3A_56 : vector<16xf32>
      %max3A_60 = arith.maximumf %min3A_57, %max3A_59 : vector<16xf32>
      %xor3A_61 = arith.constant 4 : i32
      %xor3A_62 = vector.broadcast %xor3A_61 : i32 to vector<16xi32>
      %xor3A_63 = arith.xori %iota3A, %xor3A_62 : vector<16xi32>
      %broadcast_in_dim3A_64 = vector.shape_cast %xor3A_63 : vector<16xi32> to vector<16x1xi32>
      %gather3A_65 = vector.shape_cast %broadcast_in_dim3A_64 : vector<16x1xi32> to vector<16xi32>
      %gather3A_66 = tpu.dynamic_gather %max3A_58[%gather3A_65] in [0] : vector<16xf32>, vector<16xi32> -> vector<16xf32>
      %broadcast_in_dim3A_67 = vector.shape_cast %xor3A_63 : vector<16xi32> to vector<16x1xi32>
      %gather3A_68 = vector.shape_cast %broadcast_in_dim3A_67 : vector<16x1xi32> to vector<16xi32>
      %gather3A_69 = tpu.dynamic_gather %max3A_60[%gather3A_68] in [0] : vector<16xf32>, vector<16xi32> -> vector<16xf32>
      %min3A_70 = arith.minimumf %max3A_58, %gather3A_66 : vector<16xf32>
      %max3A_71 = arith.maximumf %max3A_58, %gather3A_66 : vector<16xf32>
      %max3A_72 = arith.maximumf %max3A_60, %gather3A_69 : vector<16xf32>
      %max3A_73 = arith.maximumf %min3A_70, %max3A_72 : vector<16xf32>
      %add3A_74 = arith.addf %max3A_71, %max3A_73 : vector<16xf32>
      %xor3A_75 = arith.constant 1 : i32
      %xor3A_76 = vector.broadcast %xor3A_75 : i32 to vector<16xi32>
      %xor3A_77 = arith.xori %iota3A, %xor3A_76 : vector<16xi32>
      %broadcast_in_dim3A_78 = vector.shape_cast %xor3A_77 : vector<16xi32> to vector<16x1xi32>
      %gather3A_79 = vector.shape_cast %broadcast_in_dim3A_78 : vector<16x1xi32> to vector<16xi32>
      %gather3A_80 = tpu.dynamic_gather %add3A_36[%gather3A_79] in [0] : vector<16xf32>, vector<16xi32> -> vector<16xf32>
      %broadcast_in_dim3A_81 = vector.shape_cast %xor3A_77 : vector<16xi32> to vector<16x1xi32>
      %gather3A_82 = vector.shape_cast %broadcast_in_dim3A_81 : vector<16x1xi32> to vector<16xi32>
      %gather3A_83 = tpu.dynamic_gather %broadcast_in_dim3A_10[%gather3A_82] in [0] : vector<16xf32>, vector<16xi32> -> vector<16xf32>
      %min3A_84 = arith.minimumf %add3A_36, %gather3A_80 : vector<16xf32>
      %max3A_85 = arith.maximumf %add3A_36, %gather3A_80 : vector<16xf32>
      %max3A_86 = arith.maximumf %broadcast_in_dim3A_10, %gather3A_83 : vector<16xf32>
      %max3A_87 = arith.maximumf %min3A_84, %max3A_86 : vector<16xf32>
      %xor3A_88 = arith.constant 2 : i32
      %xor3A_89 = vector.broadcast %xor3A_88 : i32 to vector<16xi32>
      %xor3A_90 = arith.xori %iota3A, %xor3A_89 : vector<16xi32>
      %broadcast_in_dim3A_91 = vector.shape_cast %xor3A_90 : vector<16xi32> to vector<16x1xi32>
      %gather3A_92 = vector.shape_cast %broadcast_in_dim3A_91 : vector<16x1xi32> to vector<16xi32>
      %gather3A_93 = tpu.dynamic_gather %max3A_85[%gather3A_92] in [0] : vector<16xf32>, vector<16xi32> -> vector<16xf32>
      %broadcast_in_dim3A_94 = vector.shape_cast %xor3A_90 : vector<16xi32> to vector<16x1xi32>
      %gather3A_95 = vector.shape_cast %broadcast_in_dim3A_94 : vector<16x1xi32> to vector<16xi32>
      %gather3A_96 = tpu.dynamic_gather %max3A_87[%gather3A_95] in [0] : vector<16xf32>, vector<16xi32> -> vector<16xf32>
      %min3A_97 = arith.minimumf %max3A_85, %gather3A_93 : vector<16xf32>
      %max3A_98 = arith.maximumf %max3A_85, %gather3A_93 : vector<16xf32>
      %max3A_99 = arith.maximumf %max3A_87, %gather3A_96 : vector<16xf32>
      %max3A_100 = arith.maximumf %min3A_97, %max3A_99 : vector<16xf32>
      %xor3A_101 = arith.constant 4 : i32
      %xor3A_102 = vector.broadcast %xor3A_101 : i32 to vector<16xi32>
      %xor3A_103 = arith.xori %iota3A, %xor3A_102 : vector<16xi32>
      %broadcast_in_dim3A_104 = vector.shape_cast %xor3A_103 : vector<16xi32> to vector<16x1xi32>
      %gather3A_105 = vector.shape_cast %broadcast_in_dim3A_104 : vector<16x1xi32> to vector<16xi32>
      %gather3A_106 = tpu.dynamic_gather %max3A_98[%gather3A_105] in [0] : vector<16xf32>, vector<16xi32> -> vector<16xf32>
      %broadcast_in_dim3A_107 = vector.shape_cast %xor3A_103 : vector<16xi32> to vector<16x1xi32>
      %gather3A_108 = vector.shape_cast %broadcast_in_dim3A_107 : vector<16x1xi32> to vector<16xi32>
      %gather3A_109 = tpu.dynamic_gather %max3A_100[%gather3A_108] in [0] : vector<16xf32>, vector<16xi32> -> vector<16xf32>
      %min3A_110 = arith.minimumf %max3A_98, %gather3A_106 : vector<16xf32>
      %max3A_111 = arith.maximumf %max3A_98, %gather3A_106 : vector<16xf32>
      %max3A_112 = arith.maximumf %max3A_100, %gather3A_109 : vector<16xf32>
      %max3A_113 = arith.maximumf %min3A_110, %max3A_112 : vector<16xf32>
      %add3A_114 = arith.addf %max3A_111, %max3A_113 : vector<16xf32>
      %xor3A_115 = arith.constant 1 : i32
      %xor3A_116 = vector.broadcast %xor3A_115 : i32 to vector<16xi32>
      %xor3A_117 = arith.xori %iota3A, %xor3A_116 : vector<16xi32>
      %broadcast_in_dim3A_118 = vector.shape_cast %xor3A_117 : vector<16xi32> to vector<16x1xi32>
      %gather3A_119 = vector.shape_cast %broadcast_in_dim3A_118 : vector<16x1xi32> to vector<16xi32>
      %gather3A_120 = tpu.dynamic_gather %add3A_37[%gather3A_119] in [0] : vector<16xf32>, vector<16xi32> -> vector<16xf32>
      %broadcast_in_dim3A_121 = vector.shape_cast %xor3A_117 : vector<16xi32> to vector<16x1xi32>
      %gather3A_122 = vector.shape_cast %broadcast_in_dim3A_121 : vector<16x1xi32> to vector<16xi32>
      %gather3A_123 = tpu.dynamic_gather %broadcast_in_dim3A_10[%gather3A_122] in [0] : vector<16xf32>, vector<16xi32> -> vector<16xf32>
      %min3A_124 = arith.minimumf %add3A_37, %gather3A_120 : vector<16xf32>
      %max3A_125 = arith.maximumf %add3A_37, %gather3A_120 : vector<16xf32>
      %max3A_126 = arith.maximumf %broadcast_in_dim3A_10, %gather3A_123 : vector<16xf32>
      %max3A_127 = arith.maximumf %min3A_124, %max3A_126 : vector<16xf32>
      %xor3A_128 = arith.constant 2 : i32
      %xor3A_129 = vector.broadcast %xor3A_128 : i32 to vector<16xi32>
      %xor3A_130 = arith.xori %iota3A, %xor3A_129 : vector<16xi32>
      %broadcast_in_dim3A_131 = vector.shape_cast %xor3A_130 : vector<16xi32> to vector<16x1xi32>
      %gather3A_132 = vector.shape_cast %broadcast_in_dim3A_131 : vector<16x1xi32> to vector<16xi32>
      %gather3A_133 = tpu.dynamic_gather %max3A_125[%gather3A_132] in [0] : vector<16xf32>, vector<16xi32> -> vector<16xf32>
      %broadcast_in_dim3A_134 = vector.shape_cast %xor3A_130 : vector<16xi32> to vector<16x1xi32>
      %gather3A_135 = vector.shape_cast %broadcast_in_dim3A_134 : vector<16x1xi32> to vector<16xi32>
      %gather3A_136 = tpu.dynamic_gather %max3A_127[%gather3A_135] in [0] : vector<16xf32>, vector<16xi32> -> vector<16xf32>
      %min3A_137 = arith.minimumf %max3A_125, %gather3A_133 : vector<16xf32>
      %max3A_138 = arith.maximumf %max3A_125, %gather3A_133 : vector<16xf32>
      %max3A_139 = arith.maximumf %max3A_127, %gather3A_136 : vector<16xf32>
      %max3A_140 = arith.maximumf %min3A_137, %max3A_139 : vector<16xf32>
      %xor3A_141 = arith.constant 4 : i32
      %xor3A_142 = vector.broadcast %xor3A_141 : i32 to vector<16xi32>
      %xor3A_143 = arith.xori %iota3A, %xor3A_142 : vector<16xi32>
      %broadcast_in_dim3A_144 = vector.shape_cast %xor3A_143 : vector<16xi32> to vector<16x1xi32>
      %gather3A_145 = vector.shape_cast %broadcast_in_dim3A_144 : vector<16x1xi32> to vector<16xi32>
      %gather3A_146 = tpu.dynamic_gather %max3A_138[%gather3A_145] in [0] : vector<16xf32>, vector<16xi32> -> vector<16xf32>
      %broadcast_in_dim3A_147 = vector.shape_cast %xor3A_143 : vector<16xi32> to vector<16x1xi32>
      %gather3A_148 = vector.shape_cast %broadcast_in_dim3A_147 : vector<16x1xi32> to vector<16xi32>
      %gather3A_149 = tpu.dynamic_gather %max3A_140[%gather3A_148] in [0] : vector<16xf32>, vector<16xi32> -> vector<16xf32>
      %min3A_150 = arith.minimumf %max3A_138, %gather3A_146 : vector<16xf32>
      %max3A_151 = arith.maximumf %max3A_138, %gather3A_146 : vector<16xf32>
      %max3A_152 = arith.maximumf %max3A_140, %gather3A_149 : vector<16xf32>
      %max3A_153 = arith.maximumf %min3A_150, %max3A_152 : vector<16xf32>
      %add3A_154 = arith.addf %max3A_151, %max3A_153 : vector<16xf32>
      %xor3A_155 = arith.constant 1 : i32
      %xor3A_156 = vector.broadcast %xor3A_155 : i32 to vector<16xi32>
      %xor3A_157 = arith.xori %iota3A, %xor3A_156 : vector<16xi32>
      %broadcast_in_dim3A_158 = vector.shape_cast %xor3A_157 : vector<16xi32> to vector<16x1xi32>
      %gather3A_159 = vector.shape_cast %broadcast_in_dim3A_158 : vector<16x1xi32> to vector<16xi32>
      %gather3A_160 = tpu.dynamic_gather %add3A_38[%gather3A_159] in [0] : vector<16xf32>, vector<16xi32> -> vector<16xf32>
      %broadcast_in_dim3A_161 = vector.shape_cast %xor3A_157 : vector<16xi32> to vector<16x1xi32>
      %gather3A_162 = vector.shape_cast %broadcast_in_dim3A_161 : vector<16x1xi32> to vector<16xi32>
      %gather3A_163 = tpu.dynamic_gather %broadcast_in_dim3A_10[%gather3A_162] in [0] : vector<16xf32>, vector<16xi32> -> vector<16xf32>
      %min3A_164 = arith.minimumf %add3A_38, %gather3A_160 : vector<16xf32>
      %max3A_165 = arith.maximumf %add3A_38, %gather3A_160 : vector<16xf32>
      %max3A_166 = arith.maximumf %broadcast_in_dim3A_10, %gather3A_163 : vector<16xf32>
      %max3A_167 = arith.maximumf %min3A_164, %max3A_166 : vector<16xf32>
      %xor3A_168 = arith.constant 2 : i32
      %xor3A_169 = vector.broadcast %xor3A_168 : i32 to vector<16xi32>
      %xor3A_170 = arith.xori %iota3A, %xor3A_169 : vector<16xi32>
      %broadcast_in_dim3A_171 = vector.shape_cast %xor3A_170 : vector<16xi32> to vector<16x1xi32>
      %gather3A_172 = vector.shape_cast %broadcast_in_dim3A_171 : vector<16x1xi32> to vector<16xi32>
      %gather3A_173 = tpu.dynamic_gather %max3A_165[%gather3A_172] in [0] : vector<16xf32>, vector<16xi32> -> vector<16xf32>
      %broadcast_in_dim3A_174 = vector.shape_cast %xor3A_170 : vector<16xi32> to vector<16x1xi32>
      %gather3A_175 = vector.shape_cast %broadcast_in_dim3A_174 : vector<16x1xi32> to vector<16xi32>
      %gather3A_176 = tpu.dynamic_gather %max3A_167[%gather3A_175] in [0] : vector<16xf32>, vector<16xi32> -> vector<16xf32>
      %min3A_177 = arith.minimumf %max3A_165, %gather3A_173 : vector<16xf32>
      %max3A_178 = arith.maximumf %max3A_165, %gather3A_173 : vector<16xf32>
      %max3A_179 = arith.maximumf %max3A_167, %gather3A_176 : vector<16xf32>
      %max3A_180 = arith.maximumf %min3A_177, %max3A_179 : vector<16xf32>
      %xor3A_181 = arith.constant 4 : i32
      %xor3A_182 = vector.broadcast %xor3A_181 : i32 to vector<16xi32>
      %xor3A_183 = arith.xori %iota3A, %xor3A_182 : vector<16xi32>
      %broadcast_in_dim3A_184 = vector.shape_cast %xor3A_183 : vector<16xi32> to vector<16x1xi32>
      %gather3A_185 = vector.shape_cast %broadcast_in_dim3A_184 : vector<16x1xi32> to vector<16xi32>
      %gather3A_186 = tpu.dynamic_gather %max3A_178[%gather3A_185] in [0] : vector<16xf32>, vector<16xi32> -> vector<16xf32>
      %broadcast_in_dim3A_187 = vector.shape_cast %xor3A_183 : vector<16xi32> to vector<16x1xi32>
      %gather3A_188 = vector.shape_cast %broadcast_in_dim3A_187 : vector<16x1xi32> to vector<16xi32>
      %gather3A_189 = tpu.dynamic_gather %max3A_180[%gather3A_188] in [0] : vector<16xf32>, vector<16xi32> -> vector<16xf32>
      %min3A_190 = arith.minimumf %max3A_178, %gather3A_186 : vector<16xf32>
      %max3A_191 = arith.maximumf %max3A_178, %gather3A_186 : vector<16xf32>
      %max3A_192 = arith.maximumf %max3A_180, %gather3A_189 : vector<16xf32>
      %max3A_193 = arith.maximumf %min3A_190, %max3A_192 : vector<16xf32>
      %add3A_194 = arith.addf %max3A_191, %max3A_193 : vector<16xf32>
      %and3A = arith.constant 1 : i32
      %and3A_195 = vector.broadcast %and3A : i32 to vector<16xi32>
      %and3A_196 = arith.andi %iota3A, %and3A_195 : vector<16xi32>
      %mul3A_197 = arith.constant 8 : i32
      %mul3A_198 = vector.broadcast %mul3A_197 : i32 to vector<16xi32>
      %mul3A_199 = arith.muli %and3A_196, %mul3A_198 : vector<16xi32>
      %broadcast_in_dim3A_200 = vector.shape_cast %mul3A_199 : vector<16xi32> to vector<16x1xi32>
      %gather3A_201 = vector.shape_cast %broadcast_in_dim3A_200 : vector<16x1xi32> to vector<16xi32>
      %gather3A_202 = tpu.dynamic_gather %add3A_74[%gather3A_201] in [0] : vector<16xf32>, vector<16xi32> -> vector<16xf32>
      %shift_right_arithmetic3A = arith.constant 1 : i32
      %shift_right_arithmetic3A_203 = vector.broadcast %shift_right_arithmetic3A : i32 to vector<16xi32>
      %shift_right_arithmetic3A_204 = arith.shrsi %iota3A, %shift_right_arithmetic3A_203 : vector<16xi32>
      %eq3A = arith.constant 0 : i32
      %eq3A_205 = vector.broadcast %eq3A : i32 to vector<16xi32>
      %eq3A_206 = arith.cmpi eq, %shift_right_arithmetic3A_204, %eq3A_205 : vector<16xi32>
      %select_n3A = arith.select %eq3A_206, %gather3A_202, %broadcast_in_dim3A_10 : vector<16xi1>, vector<16xf32>
      %and3A_207 = arith.constant 1 : i32
      %and3A_208 = vector.broadcast %and3A_207 : i32 to vector<16xi32>
      %and3A_209 = arith.andi %iota3A, %and3A_208 : vector<16xi32>
      %mul3A_210 = arith.constant 8 : i32
      %mul3A_211 = vector.broadcast %mul3A_210 : i32 to vector<16xi32>
      %mul3A_212 = arith.muli %and3A_209, %mul3A_211 : vector<16xi32>
      %broadcast_in_dim3A_213 = vector.shape_cast %mul3A_212 : vector<16xi32> to vector<16x1xi32>
      %gather3A_214 = vector.shape_cast %broadcast_in_dim3A_213 : vector<16x1xi32> to vector<16xi32>
      %gather3A_215 = tpu.dynamic_gather %add3A_114[%gather3A_214] in [0] : vector<16xf32>, vector<16xi32> -> vector<16xf32>
      %shift_right_arithmetic3A_216 = arith.constant 1 : i32
      %shift_right_arithmetic3A_217 = vector.broadcast %shift_right_arithmetic3A_216 : i32 to vector<16xi32>
      %shift_right_arithmetic3A_218 = arith.shrsi %iota3A, %shift_right_arithmetic3A_217 : vector<16xi32>
      %eq3A_219 = arith.constant 1 : i32
      %eq3A_220 = vector.broadcast %eq3A_219 : i32 to vector<16xi32>
      %eq3A_221 = arith.cmpi eq, %shift_right_arithmetic3A_218, %eq3A_220 : vector<16xi32>
      %select_n3A_222 = arith.select %eq3A_221, %gather3A_215, %select_n3A : vector<16xi1>, vector<16xf32>
      %and3A_223 = arith.constant 1 : i32
      %and3A_224 = vector.broadcast %and3A_223 : i32 to vector<16xi32>
      %and3A_225 = arith.andi %iota3A, %and3A_224 : vector<16xi32>
      %mul3A_226 = arith.constant 8 : i32
      %mul3A_227 = vector.broadcast %mul3A_226 : i32 to vector<16xi32>
      %mul3A_228 = arith.muli %and3A_225, %mul3A_227 : vector<16xi32>
      %broadcast_in_dim3A_229 = vector.shape_cast %mul3A_228 : vector<16xi32> to vector<16x1xi32>
      %gather3A_230 = vector.shape_cast %broadcast_in_dim3A_229 : vector<16x1xi32> to vector<16xi32>
      %gather3A_231 = tpu.dynamic_gather %add3A_154[%gather3A_230] in [0] : vector<16xf32>, vector<16xi32> -> vector<16xf32>
      %shift_right_arithmetic3A_232 = arith.constant 1 : i32
      %shift_right_arithmetic3A_233 = vector.broadcast %shift_right_arithmetic3A_232 : i32 to vector<16xi32>
      %shift_right_arithmetic3A_234 = arith.shrsi %iota3A, %shift_right_arithmetic3A_233 : vector<16xi32>
      %eq3A_235 = arith.constant 2 : i32
      %eq3A_236 = vector.broadcast %eq3A_235 : i32 to vector<16xi32>
      %eq3A_237 = arith.cmpi eq, %shift_right_arithmetic3A_234, %eq3A_236 : vector<16xi32>
      %select_n3A_238 = arith.select %eq3A_237, %gather3A_231, %select_n3A_222 : vector<16xi1>, vector<16xf32>
      %and3A_239 = arith.constant 1 : i32
      %and3A_240 = vector.broadcast %and3A_239 : i32 to vector<16xi32>
      %and3A_241 = arith.andi %iota3A, %and3A_240 : vector<16xi32>
      %mul3A_242 = arith.constant 8 : i32
      %mul3A_243 = vector.broadcast %mul3A_242 : i32 to vector<16xi32>
      %mul3A_244 = arith.muli %and3A_241, %mul3A_243 : vector<16xi32>
      %broadcast_in_dim3A_245 = vector.shape_cast %mul3A_244 : vector<16xi32> to vector<16x1xi32>
      %gather3A_246 = vector.shape_cast %broadcast_in_dim3A_245 : vector<16x1xi32> to vector<16xi32>
      %gather3A_247 = tpu.dynamic_gather %add3A_194[%gather3A_246] in [0] : vector<16xf32>, vector<16xi32> -> vector<16xf32>
      %shift_right_arithmetic3A_248 = arith.constant 1 : i32
      %shift_right_arithmetic3A_249 = vector.broadcast %shift_right_arithmetic3A_248 : i32 to vector<16xi32>
      %shift_right_arithmetic3A_250 = arith.shrsi %iota3A, %shift_right_arithmetic3A_249 : vector<16xi32>
      %eq3A_251 = arith.constant 3 : i32
      %eq3A_252 = vector.broadcast %eq3A_251 : i32 to vector<16xi32>
      %eq3A_253 = arith.cmpi eq, %shift_right_arithmetic3A_250, %eq3A_252 : vector<16xi32>
      %select_n3A_254 = arith.select %eq3A_253, %gather3A_247, %select_n3A_238 : vector<16xi1>, vector<16xf32>
      %masked_sort3A = arith.constant dense<true> : vector<16xi1>
      %masked_sort3A_255, %masked_sort3A_256, %masked_sort3A_257 = tpu.sort %select_n3A_254, %iota3A masked %masked_sort3A {descending = true} : (vector<16xf32>, vector<16xi32>, vector<16xi1>) -> (vector<16xi1>, vector<16xf32>, vector<16xi32>)
      %broadcast_in_dim3A_258 = arith.constant 0 : i32
      %broadcast_in_dim3A_259 = vector.broadcast %broadcast_in_dim3A_258 : i32 to vector<16xi32>
      %broadcast_in_dim3A_260 = vector.shape_cast %broadcast_in_dim3A_259 : vector<16xi32> to vector<16x1xi32>
      %gather3A_261 = vector.shape_cast %broadcast_in_dim3A_260 : vector<16x1xi32> to vector<16xi32>
      %gather3A_262 = tpu.dynamic_gather %masked_sort3A_257[%gather3A_261] in [0] : vector<16xi32>, vector<16xi32> -> vector<16xi32>
      %broadcast_in_dim3A_263 = arith.constant 1 : i32
      %broadcast_in_dim3A_264 = vector.broadcast %broadcast_in_dim3A_263 : i32 to vector<16xi32>
      %broadcast_in_dim3A_265 = vector.shape_cast %broadcast_in_dim3A_264 : vector<16xi32> to vector<16x1xi32>
      %gather3A_266 = vector.shape_cast %broadcast_in_dim3A_265 : vector<16x1xi32> to vector<16xi32>
      %gather3A_267 = tpu.dynamic_gather %masked_sort3A_257[%gather3A_266] in [0] : vector<16xi32>, vector<16xi32> -> vector<16xi32>
      %broadcast_in_dim3A_268 = arith.constant 2 : i32
      %broadcast_in_dim3A_269 = vector.broadcast %broadcast_in_dim3A_268 : i32 to vector<16xi32>
      %broadcast_in_dim3A_270 = vector.shape_cast %broadcast_in_dim3A_269 : vector<16xi32> to vector<16x1xi32>
      %gather3A_271 = vector.shape_cast %broadcast_in_dim3A_270 : vector<16x1xi32> to vector<16xi32>
      %gather3A_272 = tpu.dynamic_gather %masked_sort3A_257[%gather3A_271] in [0] : vector<16xi32>, vector<16xi32> -> vector<16xi32>
      %broadcast_in_dim3A_273 = arith.constant 3 : i32
      %broadcast_in_dim3A_274 = vector.broadcast %broadcast_in_dim3A_273 : i32 to vector<16xi32>
      %broadcast_in_dim3A_275 = vector.shape_cast %broadcast_in_dim3A_274 : vector<16xi32> to vector<16x1xi32>
      %gather3A_276 = vector.shape_cast %broadcast_in_dim3A_275 : vector<16x1xi32> to vector<16xi32>
      %gather3A_277 = tpu.dynamic_gather %masked_sort3A_257[%gather3A_276] in [0] : vector<16xi32>, vector<16xi32> -> vector<16xi32>
      %shift_right_arithmetic3A_278 = arith.constant 3 : i32
      %shift_right_arithmetic3A_279 = vector.broadcast %shift_right_arithmetic3A_278 : i32 to vector<16xi32>
      %shift_right_arithmetic3A_280 = arith.shrsi %iota3A, %shift_right_arithmetic3A_279 : vector<16xi32>
      %add3A_281 = arith.constant 0 : i32
      %add3A_282 = vector.broadcast %add3A_281 : i32 to vector<16xi32>
      %add3A_283 = arith.addi %add3A_282, %shift_right_arithmetic3A_280 : vector<16xi32>
      %eq3A_284 = arith.cmpi eq, %add3A_283, %gather3A_262 : vector<16xi32>
      %eq3A_285 = arith.cmpi eq, %add3A_283, %gather3A_267 : vector<16xi32>
      %or3A = arith.ori %eq3A_284, %eq3A_285 : vector<16xi1>
      %eq3A_286 = arith.cmpi eq, %add3A_283, %gather3A_272 : vector<16xi32>
      %or3A_287 = arith.ori %or3A, %eq3A_286 : vector<16xi1>
      %eq3A_288 = arith.cmpi eq, %add3A_283, %gather3A_277 : vector<16xi32>
      %or3A_289 = arith.ori %or3A_287, %eq3A_288 : vector<16xi1>
      %jit3A = arith.constant 0.000000e+00 : f32
      %broadcast_in_dim3A_290 = vector.broadcast %jit3A : f32 to vector<16xf32>
      %select_n3A_291 = arith.select %or3A_289, %add3A_35, %broadcast_in_dim3A_290 : vector<16xi1>, vector<16xf32>
      %add3A_292 = arith.constant 0 : i32
      %add3A_293 = vector.broadcast %add3A_292 : i32 to vector<16xi32>
      %add3A_294 = arith.addi %iota3A, %add3A_293 : vector<16xi32>
      %masked_sort3A_295 = arith.constant dense<true> : vector<16xi1>
      %masked_sort3A_296, %masked_sort3A_297, %masked_sort3A_298 = tpu.sort %select_n3A_291, %add3A_294 masked %masked_sort3A_295 {descending = true} : (vector<16xf32>, vector<16xi32>, vector<16xi1>) -> (vector<16xi1>, vector<16xf32>, vector<16xi32>)
      %shift_right_arithmetic3A_299 = arith.constant 3 : i32
      %shift_right_arithmetic3A_300 = vector.broadcast %shift_right_arithmetic3A_299 : i32 to vector<16xi32>
      %shift_right_arithmetic3A_301 = arith.shrsi %iota3A, %shift_right_arithmetic3A_300 : vector<16xi32>
      %add3A_302 = arith.constant 2 : i32
      %add3A_303 = vector.broadcast %add3A_302 : i32 to vector<16xi32>
      %add3A_304 = arith.addi %add3A_303, %shift_right_arithmetic3A_301 : vector<16xi32>
      %eq3A_305 = arith.cmpi eq, %add3A_304, %gather3A_262 : vector<16xi32>
      %eq3A_306 = arith.cmpi eq, %add3A_304, %gather3A_267 : vector<16xi32>
      %or3A_307 = arith.ori %eq3A_305, %eq3A_306 : vector<16xi1>
      %eq3A_308 = arith.cmpi eq, %add3A_304, %gather3A_272 : vector<16xi32>
      %or3A_309 = arith.ori %or3A_307, %eq3A_308 : vector<16xi1>
      %eq3A_310 = arith.cmpi eq, %add3A_304, %gather3A_277 : vector<16xi32>
      %or3A_311 = arith.ori %or3A_309, %eq3A_310 : vector<16xi1>
      %jit3A_312 = arith.constant 0.000000e+00 : f32
      %broadcast_in_dim3A_313 = vector.broadcast %jit3A_312 : f32 to vector<16xf32>
      %select_n3A_314 = arith.select %or3A_311, %add3A_36, %broadcast_in_dim3A_313 : vector<16xi1>, vector<16xf32>
      %add3A_315 = arith.constant 16 : i32
      %add3A_316 = vector.broadcast %add3A_315 : i32 to vector<16xi32>
      %add3A_317 = arith.addi %iota3A, %add3A_316 : vector<16xi32>
      %masked_sort3A_318 = arith.constant dense<true> : vector<16xi1>
      %masked_sort3A_319, %masked_sort3A_320, %masked_sort3A_321 = tpu.sort %select_n3A_314, %add3A_317 masked %masked_sort3A_318 {descending = true} : (vector<16xf32>, vector<16xi32>, vector<16xi1>) -> (vector<16xi1>, vector<16xf32>, vector<16xi32>)
      %shift_right_arithmetic3A_322 = arith.constant 3 : i32
      %shift_right_arithmetic3A_323 = vector.broadcast %shift_right_arithmetic3A_322 : i32 to vector<16xi32>
      %shift_right_arithmetic3A_324 = arith.shrsi %iota3A, %shift_right_arithmetic3A_323 : vector<16xi32>
      %add3A_325 = arith.constant 4 : i32
      %add3A_326 = vector.broadcast %add3A_325 : i32 to vector<16xi32>
      %add3A_327 = arith.addi %add3A_326, %shift_right_arithmetic3A_324 : vector<16xi32>
      %eq3A_328 = arith.cmpi eq, %add3A_327, %gather3A_262 : vector<16xi32>
      %eq3A_329 = arith.cmpi eq, %add3A_327, %gather3A_267 : vector<16xi32>
      %or3A_330 = arith.ori %eq3A_328, %eq3A_329 : vector<16xi1>
      %eq3A_331 = arith.cmpi eq, %add3A_327, %gather3A_272 : vector<16xi32>
      %or3A_332 = arith.ori %or3A_330, %eq3A_331 : vector<16xi1>
      %eq3A_333 = arith.cmpi eq, %add3A_327, %gather3A_277 : vector<16xi32>
      %or3A_334 = arith.ori %or3A_332, %eq3A_333 : vector<16xi1>
      %jit3A_335 = arith.constant 0.000000e+00 : f32
      %broadcast_in_dim3A_336 = vector.broadcast %jit3A_335 : f32 to vector<16xf32>
      %select_n3A_337 = arith.select %or3A_334, %add3A_37, %broadcast_in_dim3A_336 : vector<16xi1>, vector<16xf32>
      %add3A_338 = arith.constant 32 : i32
      %add3A_339 = vector.broadcast %add3A_338 : i32 to vector<16xi32>
      %add3A_340 = arith.addi %iota3A, %add3A_339 : vector<16xi32>
      %masked_sort3A_341 = arith.constant dense<true> : vector<16xi1>
      %masked_sort3A_342, %masked_sort3A_343, %masked_sort3A_344 = tpu.sort %select_n3A_337, %add3A_340 masked %masked_sort3A_341 {descending = true} : (vector<16xf32>, vector<16xi32>, vector<16xi1>) -> (vector<16xi1>, vector<16xf32>, vector<16xi32>)
      %shift_right_arithmetic3A_345 = arith.constant 3 : i32
      %shift_right_arithmetic3A_346 = vector.broadcast %shift_right_arithmetic3A_345 : i32 to vector<16xi32>
      %shift_right_arithmetic3A_347 = arith.shrsi %iota3A, %shift_right_arithmetic3A_346 : vector<16xi32>
      %add3A_348 = arith.constant 6 : i32
      %add3A_349 = vector.broadcast %add3A_348 : i32 to vector<16xi32>
      %add3A_350 = arith.addi %add3A_349, %shift_right_arithmetic3A_347 : vector<16xi32>
      %eq3A_351 = arith.cmpi eq, %add3A_350, %gather3A_262 : vector<16xi32>
      %eq3A_352 = arith.cmpi eq, %add3A_350, %gather3A_267 : vector<16xi32>
      %or3A_353 = arith.ori %eq3A_351, %eq3A_352 : vector<16xi1>
      %eq3A_354 = arith.cmpi eq, %add3A_350, %gather3A_272 : vector<16xi32>
      %or3A_355 = arith.ori %or3A_353, %eq3A_354 : vector<16xi1>
      %eq3A_356 = arith.cmpi eq, %add3A_350, %gather3A_277 : vector<16xi32>
      %or3A_357 = arith.ori %or3A_355, %eq3A_356 : vector<16xi1>
      %jit3A_358 = arith.constant 0.000000e+00 : f32
      %broadcast_in_dim3A_359 = vector.broadcast %jit3A_358 : f32 to vector<16xf32>
      %select_n3A_360 = arith.select %or3A_357, %add3A_38, %broadcast_in_dim3A_359 : vector<16xi1>, vector<16xf32>
      %add3A_361 = arith.constant 48 : i32
      %add3A_362 = vector.broadcast %add3A_361 : i32 to vector<16xi32>
      %add3A_363 = arith.addi %iota3A, %add3A_362 : vector<16xi32>
      %masked_sort3A_364 = arith.constant dense<true> : vector<16xi1>
      %masked_sort3A_365, %masked_sort3A_366, %masked_sort3A_367 = tpu.sort %select_n3A_360, %add3A_363 masked %masked_sort3A_364 {descending = true} : (vector<16xf32>, vector<16xi32>, vector<16xi1>) -> (vector<16xi1>, vector<16xf32>, vector<16xi32>)
      %lt3A = arith.constant 8 : i32
      %lt3A_368 = vector.broadcast %lt3A : i32 to vector<16xi32>
      %lt3A_369 = arith.cmpi slt, %iota3A, %lt3A_368 : vector<16xi32>
      %and3A_370 = arith.constant 7 : i32
      %and3A_371 = vector.broadcast %and3A_370 : i32 to vector<16xi32>
      %and3A_372 = arith.andi %iota3A, %and3A_371 : vector<16xi32>
      %broadcast_in_dim3A_373 = vector.shape_cast %and3A_372 : vector<16xi32> to vector<16x1xi32>
      %gather3A_374 = vector.shape_cast %broadcast_in_dim3A_373 : vector<16x1xi32> to vector<16xi32>
      %gather3A_375 = tpu.dynamic_gather %masked_sort3A_320[%gather3A_374] in [0] : vector<16xf32>, vector<16xi32> -> vector<16xf32>
      %select_n3A_376 = arith.select %lt3A_369, %masked_sort3A_297, %gather3A_375 : vector<16xi1>, vector<16xf32>
      %lt3A_377 = arith.constant 8 : i32
      %lt3A_378 = vector.broadcast %lt3A_377 : i32 to vector<16xi32>
      %lt3A_379 = arith.cmpi slt, %iota3A, %lt3A_378 : vector<16xi32>
      %and3A_380 = arith.constant 7 : i32
      %and3A_381 = vector.broadcast %and3A_380 : i32 to vector<16xi32>
      %and3A_382 = arith.andi %iota3A, %and3A_381 : vector<16xi32>
      %broadcast_in_dim3A_383 = vector.shape_cast %and3A_382 : vector<16xi32> to vector<16x1xi32>
      %gather3A_384 = vector.shape_cast %broadcast_in_dim3A_383 : vector<16x1xi32> to vector<16xi32>
      %gather3A_385 = tpu.dynamic_gather %masked_sort3A_321[%gather3A_384] in [0] : vector<16xi32>, vector<16xi32> -> vector<16xi32>
      %select_n3A_386 = arith.select %lt3A_379, %masked_sort3A_298, %gather3A_385 : vector<16xi1>, vector<16xi32>
      %masked_sort3A_387 = arith.constant dense<true> : vector<16xi1>
      %masked_sort3A_388, %masked_sort3A_389, %masked_sort3A_390 = tpu.sort %select_n3A_376, %select_n3A_386 masked %masked_sort3A_387 {descending = true} : (vector<16xf32>, vector<16xi32>, vector<16xi1>) -> (vector<16xi1>, vector<16xf32>, vector<16xi32>)
      %lt3A_391 = arith.constant 8 : i32
      %lt3A_392 = vector.broadcast %lt3A_391 : i32 to vector<16xi32>
      %lt3A_393 = arith.cmpi slt, %iota3A, %lt3A_392 : vector<16xi32>
      %and3A_394 = arith.constant 7 : i32
      %and3A_395 = vector.broadcast %and3A_394 : i32 to vector<16xi32>
      %and3A_396 = arith.andi %iota3A, %and3A_395 : vector<16xi32>
      %broadcast_in_dim3A_397 = vector.shape_cast %and3A_396 : vector<16xi32> to vector<16x1xi32>
      %gather3A_398 = vector.shape_cast %broadcast_in_dim3A_397 : vector<16x1xi32> to vector<16xi32>
      %gather3A_399 = tpu.dynamic_gather %masked_sort3A_366[%gather3A_398] in [0] : vector<16xf32>, vector<16xi32> -> vector<16xf32>
      %select_n3A_400 = arith.select %lt3A_393, %masked_sort3A_343, %gather3A_399 : vector<16xi1>, vector<16xf32>
      %lt3A_401 = arith.constant 8 : i32
      %lt3A_402 = vector.broadcast %lt3A_401 : i32 to vector<16xi32>
      %lt3A_403 = arith.cmpi slt, %iota3A, %lt3A_402 : vector<16xi32>
      %and3A_404 = arith.constant 7 : i32
      %and3A_405 = vector.broadcast %and3A_404 : i32 to vector<16xi32>
      %and3A_406 = arith.andi %iota3A, %and3A_405 : vector<16xi32>
      %broadcast_in_dim3A_407 = vector.shape_cast %and3A_406 : vector<16xi32> to vector<16x1xi32>
      %gather3A_408 = vector.shape_cast %broadcast_in_dim3A_407 : vector<16x1xi32> to vector<16xi32>
      %gather3A_409 = tpu.dynamic_gather %masked_sort3A_367[%gather3A_408] in [0] : vector<16xi32>, vector<16xi32> -> vector<16xi32>
      %select_n3A_410 = arith.select %lt3A_403, %masked_sort3A_344, %gather3A_409 : vector<16xi1>, vector<16xi32>
      %masked_sort3A_411 = arith.constant dense<true> : vector<16xi1>
      %masked_sort3A_412, %masked_sort3A_413, %masked_sort3A_414 = tpu.sort %select_n3A_400, %select_n3A_410 masked %masked_sort3A_411 {descending = true} : (vector<16xf32>, vector<16xi32>, vector<16xi1>) -> (vector<16xi1>, vector<16xf32>, vector<16xi32>)
      %lt3A_415 = arith.constant 8 : i32
      %lt3A_416 = vector.broadcast %lt3A_415 : i32 to vector<16xi32>
      %lt3A_417 = arith.cmpi slt, %iota3A, %lt3A_416 : vector<16xi32>
      %and3A_418 = arith.constant 7 : i32
      %and3A_419 = vector.broadcast %and3A_418 : i32 to vector<16xi32>
      %and3A_420 = arith.andi %iota3A, %and3A_419 : vector<16xi32>
      %broadcast_in_dim3A_421 = vector.shape_cast %and3A_420 : vector<16xi32> to vector<16x1xi32>
      %gather3A_422 = vector.shape_cast %broadcast_in_dim3A_421 : vector<16x1xi32> to vector<16xi32>
      %gather3A_423 = tpu.dynamic_gather %masked_sort3A_413[%gather3A_422] in [0] : vector<16xf32>, vector<16xi32> -> vector<16xf32>
      %select_n3A_424 = arith.select %lt3A_417, %masked_sort3A_389, %gather3A_423 : vector<16xi1>, vector<16xf32>
      %lt3A_425 = arith.constant 8 : i32
      %lt3A_426 = vector.broadcast %lt3A_425 : i32 to vector<16xi32>
      %lt3A_427 = arith.cmpi slt, %iota3A, %lt3A_426 : vector<16xi32>
      %and3A_428 = arith.constant 7 : i32
      %and3A_429 = vector.broadcast %and3A_428 : i32 to vector<16xi32>
      %and3A_430 = arith.andi %iota3A, %and3A_429 : vector<16xi32>
      %broadcast_in_dim3A_431 = vector.shape_cast %and3A_430 : vector<16xi32> to vector<16x1xi32>
      %gather3A_432 = vector.shape_cast %broadcast_in_dim3A_431 : vector<16x1xi32> to vector<16xi32>
      %gather3A_433 = tpu.dynamic_gather %masked_sort3A_414[%gather3A_432] in [0] : vector<16xi32>, vector<16xi32> -> vector<16xi32>
      %select_n3A_434 = arith.select %lt3A_427, %masked_sort3A_390, %gather3A_433 : vector<16xi1>, vector<16xi32>
      %masked_sort3A_435 = arith.constant dense<true> : vector<16xi1>
      %masked_sort3A_436, %masked_sort3A_437, %masked_sort3A_438 = tpu.sort %select_n3A_424, %select_n3A_434 masked %masked_sort3A_435 {descending = true} : (vector<16xf32>, vector<16xi32>, vector<16xi1>) -> (vector<16xi1>, vector<16xf32>, vector<16xi32>)
      %broadcast_in_dim3A_439 = vector.broadcast %mul3A_22 : i32 to vector<16xi32>
      %gather3A_440 = tpu.vector_load_idx %arg6[%broadcast_in_dim3A_439, %masked_sort3A_438] : memref<64x64xf32, #tpu.memory_space<vmem>>[vector<16xi32>, vector<16xi32>], vector<16xf32>,
      %lt3A_441 = arith.constant 8 : i32
      %lt3A_442 = vector.broadcast %lt3A_441 : i32 to vector<16xi32>
      %lt3A_443 = arith.cmpi slt, %iota3A, %lt3A_442 : vector<16xi32>
      %jit3A_444 = arith.constant 0.000000e+00 : f32
      %broadcast_in_dim3A_445 = vector.broadcast %jit3A_444 : f32 to vector<16xf32>
      %select_n3A_446 = arith.select %lt3A_443, %gather3A_440, %broadcast_in_dim3A_445 : vector<16xi1>, vector<16xf32>
      %reduce_sum3A = arith.constant true
      %reduce_sum3A_447 = vector.broadcast %reduce_sum3A : i1 to vector<16xi1>
      %reduce_sum3A_448 = tpu.scan <sum>, %select_n3A_446 masked %reduce_sum3A_447 : vector<16xf32>, vector<16xi1> -> vector<16xf32>
      %reduce_sum3A_449 = vector.extract %reduce_sum3A_448[15] : f32 from vector<16xf32>
      %broadcast_in_dim3A_450 = vector.broadcast %reduce_sum3A_449 : f32 to vector<16xf32>
      %add3A_451 = arith.constant 9.99999968E-21 : f32
      %add3A_452 = vector.broadcast %add3A_451 : f32 to vector<16xf32>
      %add3A_453 = arith.addf %broadcast_in_dim3A_450, %add3A_452 : vector<16xf32>
      %div3A = arith.constant 2.500000e+00 : f32
      %div3A_454 = vector.broadcast %div3A : f32 to vector<16xf32>
      %div3A_455 = arith.divf %div3A_454, %add3A_453 : vector<16xf32>
      %mul3A_456 = arith.mulf %select_n3A_446, %div3A_455 : vector<16xf32>
      %mul3A_457 = arith.constant 2 : i32
      %mul3A_458 = arith.muli %mul3A_457, %scan3A_20 : i32
      %add3A_459 = arith.constant 1 : i32
      %add3A_460 = arith.addi %mul3A_458, %add3A_459 : i32
      %get3A_461 = arith.index_cast %add3A_460 : i32 to index
      %get3A_462 = arith.constant 0 : index
      %get3A_463 = tpu.vector_load %arg6[%get3A_461, %get3A_462] {strides = array<i32>} : memref<64x64xf32, #tpu.memory_space<vmem>>, vector<16xf32>,
      %get3A_464 = arith.index_cast %add3A_460 : i32 to index
      %get3A_465 = arith.constant 16 : index
      %get3A_466 = tpu.vector_load %arg6[%get3A_464, %get3A_465] {strides = array<i32>} : memref<64x64xf32, #tpu.memory_space<vmem>>, vector<16xf32>,
      %get3A_467 = arith.index_cast %add3A_460 : i32 to index
      %get3A_468 = arith.constant 32 : index
      %get3A_469 = tpu.vector_load %arg6[%get3A_467, %get3A_468] {strides = array<i32>} : memref<64x64xf32, #tpu.memory_space<vmem>>, vector<16xf32>,
      %get3A_470 = arith.index_cast %add3A_460 : i32 to index
      %get3A_471 = arith.constant 48 : index
      %get3A_472 = tpu.vector_load %arg6[%get3A_470, %get3A_471] {strides = array<i32>} : memref<64x64xf32, #tpu.memory_space<vmem>>, vector<16xf32>,
      %add3A_473 = arith.addf %get3A_463, %get3A_3 : vector<16xf32>
      %add3A_474 = arith.addf %get3A_466, %get3A_5 : vector<16xf32>
      %add3A_475 = arith.addf %get3A_469, %get3A_7 : vector<16xf32>
      %add3A_476 = arith.addf %get3A_472, %get3A_9 : vector<16xf32>
      %xor3A_477 = arith.constant 1 : i32
      %xor3A_478 = vector.broadcast %xor3A_477 : i32 to vector<16xi32>
      %xor3A_479 = arith.xori %iota3A, %xor3A_478 : vector<16xi32>
      %broadcast_in_dim3A_480 = vector.shape_cast %xor3A_479 : vector<16xi32> to vector<16x1xi32>
      %gather3A_481 = vector.shape_cast %broadcast_in_dim3A_480 : vector<16x1xi32> to vector<16xi32>
      %gather3A_482 = tpu.dynamic_gather %add3A_473[%gather3A_481] in [0] : vector<16xf32>, vector<16xi32> -> vector<16xf32>
      %broadcast_in_dim3A_483 = vector.shape_cast %xor3A_479 : vector<16xi32> to vector<16x1xi32>
      %gather3A_484 = vector.shape_cast %broadcast_in_dim3A_483 : vector<16x1xi32> to vector<16xi32>
      %gather3A_485 = tpu.dynamic_gather %broadcast_in_dim3A_10[%gather3A_484] in [0] : vector<16xf32>, vector<16xi32> -> vector<16xf32>
      %min3A_486 = arith.minimumf %add3A_473, %gather3A_482 : vector<16xf32>
      %max3A_487 = arith.maximumf %add3A_473, %gather3A_482 : vector<16xf32>
      %max3A_488 = arith.maximumf %broadcast_in_dim3A_10, %gather3A_485 : vector<16xf32>
      %max3A_489 = arith.maximumf %min3A_486, %max3A_488 : vector<16xf32>
      %xor3A_490 = arith.constant 2 : i32
      %xor3A_491 = vector.broadcast %xor3A_490 : i32 to vector<16xi32>
      %xor3A_492 = arith.xori %iota3A, %xor3A_491 : vector<16xi32>
      %broadcast_in_dim3A_493 = vector.shape_cast %xor3A_492 : vector<16xi32> to vector<16x1xi32>
      %gather3A_494 = vector.shape_cast %broadcast_in_dim3A_493 : vector<16x1xi32> to vector<16xi32>
      %gather3A_495 = tpu.dynamic_gather %max3A_487[%gather3A_494] in [0] : vector<16xf32>, vector<16xi32> -> vector<16xf32>
      %broadcast_in_dim3A_496 = vector.shape_cast %xor3A_492 : vector<16xi32> to vector<16x1xi32>
      %gather3A_497 = vector.shape_cast %broadcast_in_dim3A_496 : vector<16x1xi32> to vector<16xi32>
      %gather3A_498 = tpu.dynamic_gather %max3A_489[%gather3A_497] in [0] : vector<16xf32>, vector<16xi32> -> vector<16xf32>
      %min3A_499 = arith.minimumf %max3A_487, %gather3A_495 : vector<16xf32>
      %max3A_500 = arith.maximumf %max3A_487, %gather3A_495 : vector<16xf32>
      %max3A_501 = arith.maximumf %max3A_489, %gather3A_498 : vector<16xf32>
      %max3A_502 = arith.maximumf %min3A_499, %max3A_501 : vector<16xf32>
      %xor3A_503 = arith.constant 4 : i32
      %xor3A_504 = vector.broadcast %xor3A_503 : i32 to vector<16xi32>
      %xor3A_505 = arith.xori %iota3A, %xor3A_504 : vector<16xi32>
      %broadcast_in_dim3A_506 = vector.shape_cast %xor3A_505 : vector<16xi32> to vector<16x1xi32>
      %gather3A_507 = vector.shape_cast %broadcast_in_dim3A_506 : vector<16x1xi32> to vector<16xi32>
      %gather3A_508 = tpu.dynamic_gather %max3A_500[%gather3A_507] in [0] : vector<16xf32>, vector<16xi32> -> vector<16xf32>
      %broadcast_in_dim3A_509 = vector.shape_cast %xor3A_505 : vector<16xi32> to vector<16x1xi32>
      %gather3A_510 = vector.shape_cast %broadcast_in_dim3A_509 : vector<16x1xi32> to vector<16xi32>
      %gather3A_511 = tpu.dynamic_gather %max3A_502[%gather3A_510] in [0] : vector<16xf32>, vector<16xi32> -> vector<16xf32>
      %min3A_512 = arith.minimumf %max3A_500, %gather3A_508 : vector<16xf32>
      %max3A_513 = arith.maximumf %max3A_500, %gather3A_508 : vector<16xf32>
      %max3A_514 = arith.maximumf %max3A_502, %gather3A_511 : vector<16xf32>
      %max3A_515 = arith.maximumf %min3A_512, %max3A_514 : vector<16xf32>
      %add3A_516 = arith.addf %max3A_513, %max3A_515 : vector<16xf32>
      %xor3A_517 = arith.constant 1 : i32
      %xor3A_518 = vector.broadcast %xor3A_517 : i32 to vector<16xi32>
      %xor3A_519 = arith.xori %iota3A, %xor3A_518 : vector<16xi32>
      %broadcast_in_dim3A_520 = vector.shape_cast %xor3A_519 : vector<16xi32> to vector<16x1xi32>
      %gather3A_521 = vector.shape_cast %broadcast_in_dim3A_520 : vector<16x1xi32> to vector<16xi32>
      %gather3A_522 = tpu.dynamic_gather %add3A_474[%gather3A_521] in [0] : vector<16xf32>, vector<16xi32> -> vector<16xf32>
      %broadcast_in_dim3A_523 = vector.shape_cast %xor3A_519 : vector<16xi32> to vector<16x1xi32>
      %gather3A_524 = vector.shape_cast %broadcast_in_dim3A_523 : vector<16x1xi32> to vector<16xi32>
      %gather3A_525 = tpu.dynamic_gather %broadcast_in_dim3A_10[%gather3A_524] in [0] : vector<16xf32>, vector<16xi32> -> vector<16xf32>
      %min3A_526 = arith.minimumf %add3A_474, %gather3A_522 : vector<16xf32>
      %max3A_527 = arith.maximumf %add3A_474, %gather3A_522 : vector<16xf32>
      %max3A_528 = arith.maximumf %broadcast_in_dim3A_10, %gather3A_525 : vector<16xf32>
      %max3A_529 = arith.maximumf %min3A_526, %max3A_528 : vector<16xf32>
      %xor3A_530 = arith.constant 2 : i32
      %xor3A_531 = vector.broadcast %xor3A_530 : i32 to vector<16xi32>
      %xor3A_532 = arith.xori %iota3A, %xor3A_531 : vector<16xi32>
      %broadcast_in_dim3A_533 = vector.shape_cast %xor3A_532 : vector<16xi32> to vector<16x1xi32>
      %gather3A_534 = vector.shape_cast %broadcast_in_dim3A_533 : vector<16x1xi32> to vector<16xi32>
      %gather3A_535 = tpu.dynamic_gather %max3A_527[%gather3A_534] in [0] : vector<16xf32>, vector<16xi32> -> vector<16xf32>
      %broadcast_in_dim3A_536 = vector.shape_cast %xor3A_532 : vector<16xi32> to vector<16x1xi32>
      %gather3A_537 = vector.shape_cast %broadcast_in_dim3A_536 : vector<16x1xi32> to vector<16xi32>
      %gather3A_538 = tpu.dynamic_gather %max3A_529[%gather3A_537] in [0] : vector<16xf32>, vector<16xi32> -> vector<16xf32>
      %min3A_539 = arith.minimumf %max3A_527, %gather3A_535 : vector<16xf32>
      %max3A_540 = arith.maximumf %max3A_527, %gather3A_535 : vector<16xf32>
      %max3A_541 = arith.maximumf %max3A_529, %gather3A_538 : vector<16xf32>
      %max3A_542 = arith.maximumf %min3A_539, %max3A_541 : vector<16xf32>
      %xor3A_543 = arith.constant 4 : i32
      %xor3A_544 = vector.broadcast %xor3A_543 : i32 to vector<16xi32>
      %xor3A_545 = arith.xori %iota3A, %xor3A_544 : vector<16xi32>
      %broadcast_in_dim3A_546 = vector.shape_cast %xor3A_545 : vector<16xi32> to vector<16x1xi32>
      %gather3A_547 = vector.shape_cast %broadcast_in_dim3A_546 : vector<16x1xi32> to vector<16xi32>
      %gather3A_548 = tpu.dynamic_gather %max3A_540[%gather3A_547] in [0] : vector<16xf32>, vector<16xi32> -> vector<16xf32>
      %broadcast_in_dim3A_549 = vector.shape_cast %xor3A_545 : vector<16xi32> to vector<16x1xi32>
      %gather3A_550 = vector.shape_cast %broadcast_in_dim3A_549 : vector<16x1xi32> to vector<16xi32>
      %gather3A_551 = tpu.dynamic_gather %max3A_542[%gather3A_550] in [0] : vector<16xf32>, vector<16xi32> -> vector<16xf32>
      %min3A_552 = arith.minimumf %max3A_540, %gather3A_548 : vector<16xf32>
      %max3A_553 = arith.maximumf %max3A_540, %gather3A_548 : vector<16xf32>
      %max3A_554 = arith.maximumf %max3A_542, %gather3A_551 : vector<16xf32>
      %max3A_555 = arith.maximumf %min3A_552, %max3A_554 : vector<16xf32>
      %add3A_556 = arith.addf %max3A_553, %max3A_555 : vector<16xf32>
      %xor3A_557 = arith.constant 1 : i32
      %xor3A_558 = vector.broadcast %xor3A_557 : i32 to vector<16xi32>
      %xor3A_559 = arith.xori %iota3A, %xor3A_558 : vector<16xi32>
      %broadcast_in_dim3A_560 = vector.shape_cast %xor3A_559 : vector<16xi32> to vector<16x1xi32>
      %gather3A_561 = vector.shape_cast %broadcast_in_dim3A_560 : vector<16x1xi32> to vector<16xi32>
      %gather3A_562 = tpu.dynamic_gather %add3A_475[%gather3A_561] in [0] : vector<16xf32>, vector<16xi32> -> vector<16xf32>
      %broadcast_in_dim3A_563 = vector.shape_cast %xor3A_559 : vector<16xi32> to vector<16x1xi32>
      %gather3A_564 = vector.shape_cast %broadcast_in_dim3A_563 : vector<16x1xi32> to vector<16xi32>
      %gather3A_565 = tpu.dynamic_gather %broadcast_in_dim3A_10[%gather3A_564] in [0] : vector<16xf32>, vector<16xi32> -> vector<16xf32>
      %min3A_566 = arith.minimumf %add3A_475, %gather3A_562 : vector<16xf32>
      %max3A_567 = arith.maximumf %add3A_475, %gather3A_562 : vector<16xf32>
      %max3A_568 = arith.maximumf %broadcast_in_dim3A_10, %gather3A_565 : vector<16xf32>
      %max3A_569 = arith.maximumf %min3A_566, %max3A_568 : vector<16xf32>
      %xor3A_570 = arith.constant 2 : i32
      %xor3A_571 = vector.broadcast %xor3A_570 : i32 to vector<16xi32>
      %xor3A_572 = arith.xori %iota3A, %xor3A_571 : vector<16xi32>
      %broadcast_in_dim3A_573 = vector.shape_cast %xor3A_572 : vector<16xi32> to vector<16x1xi32>
      %gather3A_574 = vector.shape_cast %broadcast_in_dim3A_573 : vector<16x1xi32> to vector<16xi32>
      %gather3A_575 = tpu.dynamic_gather %max3A_567[%gather3A_574] in [0] : vector<16xf32>, vector<16xi32> -> vector<16xf32>
      %broadcast_in_dim3A_576 = vector.shape_cast %xor3A_572 : vector<16xi32> to vector<16x1xi32>
      %gather3A_577 = vector.shape_cast %broadcast_in_dim3A_576 : vector<16x1xi32> to vector<16xi32>
      %gather3A_578 = tpu.dynamic_gather %max3A_569[%gather3A_577] in [0] : vector<16xf32>, vector<16xi32> -> vector<16xf32>
      %min3A_579 = arith.minimumf %max3A_567, %gather3A_575 : vector<16xf32>
      %max3A_580 = arith.maximumf %max3A_567, %gather3A_575 : vector<16xf32>
      %max3A_581 = arith.maximumf %max3A_569, %gather3A_578 : vector<16xf32>
      %max3A_582 = arith.maximumf %min3A_579, %max3A_581 : vector<16xf32>
      %xor3A_583 = arith.constant 4 : i32
      %xor3A_584 = vector.broadcast %xor3A_583 : i32 to vector<16xi32>
      %xor3A_585 = arith.xori %iota3A, %xor3A_584 : vector<16xi32>
      %broadcast_in_dim3A_586 = vector.shape_cast %xor3A_585 : vector<16xi32> to vector<16x1xi32>
      %gather3A_587 = vector.shape_cast %broadcast_in_dim3A_586 : vector<16x1xi32> to vector<16xi32>
      %gather3A_588 = tpu.dynamic_gather %max3A_580[%gather3A_587] in [0] : vector<16xf32>, vector<16xi32> -> vector<16xf32>
      %broadcast_in_dim3A_589 = vector.shape_cast %xor3A_585 : vector<16xi32> to vector<16x1xi32>
      %gather3A_590 = vector.shape_cast %broadcast_in_dim3A_589 : vector<16x1xi32> to vector<16xi32>
      %gather3A_591 = tpu.dynamic_gather %max3A_582[%gather3A_590] in [0] : vector<16xf32>, vector<16xi32> -> vector<16xf32>
      %min3A_592 = arith.minimumf %max3A_580, %gather3A_588 : vector<16xf32>
      %max3A_593 = arith.maximumf %max3A_580, %gather3A_588 : vector<16xf32>
      %max3A_594 = arith.maximumf %max3A_582, %gather3A_591 : vector<16xf32>
      %max3A_595 = arith.maximumf %min3A_592, %max3A_594 : vector<16xf32>
      %add3A_596 = arith.addf %max3A_593, %max3A_595 : vector<16xf32>
      %xor3A_597 = arith.constant 1 : i32
      %xor3A_598 = vector.broadcast %xor3A_597 : i32 to vector<16xi32>
      %xor3A_599 = arith.xori %iota3A, %xor3A_598 : vector<16xi32>
      %broadcast_in_dim3A_600 = vector.shape_cast %xor3A_599 : vector<16xi32> to vector<16x1xi32>
      %gather3A_601 = vector.shape_cast %broadcast_in_dim3A_600 : vector<16x1xi32> to vector<16xi32>
      %gather3A_602 = tpu.dynamic_gather %add3A_476[%gather3A_601] in [0] : vector<16xf32>, vector<16xi32> -> vector<16xf32>
      %broadcast_in_dim3A_603 = vector.shape_cast %xor3A_599 : vector<16xi32> to vector<16x1xi32>
      %gather3A_604 = vector.shape_cast %broadcast_in_dim3A_603 : vector<16x1xi32> to vector<16xi32>
      %gather3A_605 = tpu.dynamic_gather %broadcast_in_dim3A_10[%gather3A_604] in [0] : vector<16xf32>, vector<16xi32> -> vector<16xf32>
      %min3A_606 = arith.minimumf %add3A_476, %gather3A_602 : vector<16xf32>
      %max3A_607 = arith.maximumf %add3A_476, %gather3A_602 : vector<16xf32>
      %max3A_608 = arith.maximumf %broadcast_in_dim3A_10, %gather3A_605 : vector<16xf32>
      %max3A_609 = arith.maximumf %min3A_606, %max3A_608 : vector<16xf32>
      %xor3A_610 = arith.constant 2 : i32
      %xor3A_611 = vector.broadcast %xor3A_610 : i32 to vector<16xi32>
      %xor3A_612 = arith.xori %iota3A, %xor3A_611 : vector<16xi32>
      %broadcast_in_dim3A_613 = vector.shape_cast %xor3A_612 : vector<16xi32> to vector<16x1xi32>
      %gather3A_614 = vector.shape_cast %broadcast_in_dim3A_613 : vector<16x1xi32> to vector<16xi32>
      %gather3A_615 = tpu.dynamic_gather %max3A_607[%gather3A_614] in [0] : vector<16xf32>, vector<16xi32> -> vector<16xf32>
      %broadcast_in_dim3A_616 = vector.shape_cast %xor3A_612 : vector<16xi32> to vector<16x1xi32>
      %gather3A_617 = vector.shape_cast %broadcast_in_dim3A_616 : vector<16x1xi32> to vector<16xi32>
      %gather3A_618 = tpu.dynamic_gather %max3A_609[%gather3A_617] in [0] : vector<16xf32>, vector<16xi32> -> vector<16xf32>
      %min3A_619 = arith.minimumf %max3A_607, %gather3A_615 : vector<16xf32>
      %max3A_620 = arith.maximumf %max3A_607, %gather3A_615 : vector<16xf32>
      %max3A_621 = arith.maximumf %max3A_609, %gather3A_618 : vector<16xf32>
      %max3A_622 = arith.maximumf %min3A_619, %max3A_621 : vector<16xf32>
      %xor3A_623 = arith.constant 4 : i32
      %xor3A_624 = vector.broadcast %xor3A_623 : i32 to vector<16xi32>
      %xor3A_625 = arith.xori %iota3A, %xor3A_624 : vector<16xi32>
      %broadcast_in_dim3A_626 = vector.shape_cast %xor3A_625 : vector<16xi32> to vector<16x1xi32>
      %gather3A_627 = vector.shape_cast %broadcast_in_dim3A_626 : vector<16x1xi32> to vector<16xi32>
      %gather3A_628 = tpu.dynamic_gather %max3A_620[%gather3A_627] in [0] : vector<16xf32>, vector<16xi32> -> vector<16xf32>
      %broadcast_in_dim3A_629 = vector.shape_cast %xor3A_625 : vector<16xi32> to vector<16x1xi32>
      %gather3A_630 = vector.shape_cast %broadcast_in_dim3A_629 : vector<16x1xi32> to vector<16xi32>
      %gather3A_631 = tpu.dynamic_gather %max3A_622[%gather3A_630] in [0] : vector<16xf32>, vector<16xi32> -> vector<16xf32>
      %min3A_632 = arith.minimumf %max3A_620, %gather3A_628 : vector<16xf32>
      %max3A_633 = arith.maximumf %max3A_620, %gather3A_628 : vector<16xf32>
      %max3A_634 = arith.maximumf %max3A_622, %gather3A_631 : vector<16xf32>
      %max3A_635 = arith.maximumf %min3A_632, %max3A_634 : vector<16xf32>
      %add3A_636 = arith.addf %max3A_633, %max3A_635 : vector<16xf32>
      %and3A_637 = arith.constant 1 : i32
      %and3A_638 = vector.broadcast %and3A_637 : i32 to vector<16xi32>
      %and3A_639 = arith.andi %iota3A, %and3A_638 : vector<16xi32>
      %mul3A_640 = arith.constant 8 : i32
      %mul3A_641 = vector.broadcast %mul3A_640 : i32 to vector<16xi32>
      %mul3A_642 = arith.muli %and3A_639, %mul3A_641 : vector<16xi32>
      %broadcast_in_dim3A_643 = vector.shape_cast %mul3A_642 : vector<16xi32> to vector<16x1xi32>
      %gather3A_644 = vector.shape_cast %broadcast_in_dim3A_643 : vector<16x1xi32> to vector<16xi32>
      %gather3A_645 = tpu.dynamic_gather %add3A_516[%gather3A_644] in [0] : vector<16xf32>, vector<16xi32> -> vector<16xf32>
      %shift_right_arithmetic3A_646 = arith.constant 1 : i32
      %shift_right_arithmetic3A_647 = vector.broadcast %shift_right_arithmetic3A_646 : i32 to vector<16xi32>
      %shift_right_arithmetic3A_648 = arith.shrsi %iota3A, %shift_right_arithmetic3A_647 : vector<16xi32>
      %eq3A_649 = arith.constant 0 : i32
      %eq3A_650 = vector.broadcast %eq3A_649 : i32 to vector<16xi32>
      %eq3A_651 = arith.cmpi eq, %shift_right_arithmetic3A_648, %eq3A_650 : vector<16xi32>
      %select_n3A_652 = arith.select %eq3A_651, %gather3A_645, %broadcast_in_dim3A_10 : vector<16xi1>, vector<16xf32>
      %and3A_653 = arith.constant 1 : i32
      %and3A_654 = vector.broadcast %and3A_653 : i32 to vector<16xi32>
      %and3A_655 = arith.andi %iota3A, %and3A_654 : vector<16xi32>
      %mul3A_656 = arith.constant 8 : i32
      %mul3A_657 = vector.broadcast %mul3A_656 : i32 to vector<16xi32>
      %mul3A_658 = arith.muli %and3A_655, %mul3A_657 : vector<16xi32>
      %broadcast_in_dim3A_659 = vector.shape_cast %mul3A_658 : vector<16xi32> to vector<16x1xi32>
      %gather3A_660 = vector.shape_cast %broadcast_in_dim3A_659 : vector<16x1xi32> to vector<16xi32>
      %gather3A_661 = tpu.dynamic_gather %add3A_556[%gather3A_660] in [0] : vector<16xf32>, vector<16xi32> -> vector<16xf32>
      %shift_right_arithmetic3A_662 = arith.constant 1 : i32
      %shift_right_arithmetic3A_663 = vector.broadcast %shift_right_arithmetic3A_662 : i32 to vector<16xi32>
      %shift_right_arithmetic3A_664 = arith.shrsi %iota3A, %shift_right_arithmetic3A_663 : vector<16xi32>
      %eq3A_665 = arith.constant 1 : i32
      %eq3A_666 = vector.broadcast %eq3A_665 : i32 to vector<16xi32>
      %eq3A_667 = arith.cmpi eq, %shift_right_arithmetic3A_664, %eq3A_666 : vector<16xi32>
      %select_n3A_668 = arith.select %eq3A_667, %gather3A_661, %select_n3A_652 : vector<16xi1>, vector<16xf32>
      %and3A_669 = arith.constant 1 : i32
      %and3A_670 = vector.broadcast %and3A_669 : i32 to vector<16xi32>
      %and3A_671 = arith.andi %iota3A, %and3A_670 : vector<16xi32>
      %mul3A_672 = arith.constant 8 : i32
      %mul3A_673 = vector.broadcast %mul3A_672 : i32 to vector<16xi32>
      %mul3A_674 = arith.muli %and3A_671, %mul3A_673 : vector<16xi32>
      %broadcast_in_dim3A_675 = vector.shape_cast %mul3A_674 : vector<16xi32> to vector<16x1xi32>
      %gather3A_676 = vector.shape_cast %broadcast_in_dim3A_675 : vector<16x1xi32> to vector<16xi32>
      %gather3A_677 = tpu.dynamic_gather %add3A_596[%gather3A_676] in [0] : vector<16xf32>, vector<16xi32> -> vector<16xf32>
      %shift_right_arithmetic3A_678 = arith.constant 1 : i32
      %shift_right_arithmetic3A_679 = vector.broadcast %shift_right_arithmetic3A_678 : i32 to vector<16xi32>
      %shift_right_arithmetic3A_680 = arith.shrsi %iota3A, %shift_right_arithmetic3A_679 : vector<16xi32>
      %eq3A_681 = arith.constant 2 : i32
      %eq3A_682 = vector.broadcast %eq3A_681 : i32 to vector<16xi32>
      %eq3A_683 = arith.cmpi eq, %shift_right_arithmetic3A_680, %eq3A_682 : vector<16xi32>
      %select_n3A_684 = arith.select %eq3A_683, %gather3A_677, %select_n3A_668 : vector<16xi1>, vector<16xf32>
      %and3A_685 = arith.constant 1 : i32
      %and3A_686 = vector.broadcast %and3A_685 : i32 to vector<16xi32>
      %and3A_687 = arith.andi %iota3A, %and3A_686 : vector<16xi32>
      %mul3A_688 = arith.constant 8 : i32
      %mul3A_689 = vector.broadcast %mul3A_688 : i32 to vector<16xi32>
      %mul3A_690 = arith.muli %and3A_687, %mul3A_689 : vector<16xi32>
      %broadcast_in_dim3A_691 = vector.shape_cast %mul3A_690 : vector<16xi32> to vector<16x1xi32>
      %gather3A_692 = vector.shape_cast %broadcast_in_dim3A_691 : vector<16x1xi32> to vector<16xi32>
      %gather3A_693 = tpu.dynamic_gather %add3A_636[%gather3A_692] in [0] : vector<16xf32>, vector<16xi32> -> vector<16xf32>
      %shift_right_arithmetic3A_694 = arith.constant 1 : i32
      %shift_right_arithmetic3A_695 = vector.broadcast %shift_right_arithmetic3A_694 : i32 to vector<16xi32>
      %shift_right_arithmetic3A_696 = arith.shrsi %iota3A, %shift_right_arithmetic3A_695 : vector<16xi32>
      %eq3A_697 = arith.constant 3 : i32
      %eq3A_698 = vector.broadcast %eq3A_697 : i32 to vector<16xi32>
      %eq3A_699 = arith.cmpi eq, %shift_right_arithmetic3A_696, %eq3A_698 : vector<16xi32>
      %select_n3A_700 = arith.select %eq3A_699, %gather3A_693, %select_n3A_684 : vector<16xi1>, vector<16xf32>
      %masked_sort3A_701 = arith.constant dense<true> : vector<16xi1>
      %masked_sort3A_702, %masked_sort3A_703, %masked_sort3A_704 = tpu.sort %select_n3A_700, %iota3A masked %masked_sort3A_701 {descending = true} : (vector<16xf32>, vector<16xi32>, vector<16xi1>) -> (vector<16xi1>, vector<16xf32>, vector<16xi32>)
      %broadcast_in_dim3A_705 = arith.constant 0 : i32
      %broadcast_in_dim3A_706 = vector.broadcast %broadcast_in_dim3A_705 : i32 to vector<16xi32>
      %broadcast_in_dim3A_707 = vector.shape_cast %broadcast_in_dim3A_706 : vector<16xi32> to vector<16x1xi32>
      %gather3A_708 = vector.shape_cast %broadcast_in_dim3A_707 : vector<16x1xi32> to vector<16xi32>
      %gather3A_709 = tpu.dynamic_gather %masked_sort3A_704[%gather3A_708] in [0] : vector<16xi32>, vector<16xi32> -> vector<16xi32>
      %broadcast_in_dim3A_710 = arith.constant 1 : i32
      %broadcast_in_dim3A_711 = vector.broadcast %broadcast_in_dim3A_710 : i32 to vector<16xi32>
      %broadcast_in_dim3A_712 = vector.shape_cast %broadcast_in_dim3A_711 : vector<16xi32> to vector<16x1xi32>
      %gather3A_713 = vector.shape_cast %broadcast_in_dim3A_712 : vector<16x1xi32> to vector<16xi32>
      %gather3A_714 = tpu.dynamic_gather %masked_sort3A_704[%gather3A_713] in [0] : vector<16xi32>, vector<16xi32> -> vector<16xi32>
      %broadcast_in_dim3A_715 = arith.constant 2 : i32
      %broadcast_in_dim3A_716 = vector.broadcast %broadcast_in_dim3A_715 : i32 to vector<16xi32>
      %broadcast_in_dim3A_717 = vector.shape_cast %broadcast_in_dim3A_716 : vector<16xi32> to vector<16x1xi32>
      %gather3A_718 = vector.shape_cast %broadcast_in_dim3A_717 : vector<16x1xi32> to vector<16xi32>
      %gather3A_719 = tpu.dynamic_gather %masked_sort3A_704[%gather3A_718] in [0] : vector<16xi32>, vector<16xi32> -> vector<16xi32>
      %broadcast_in_dim3A_720 = arith.constant 3 : i32
      %broadcast_in_dim3A_721 = vector.broadcast %broadcast_in_dim3A_720 : i32 to vector<16xi32>
      %broadcast_in_dim3A_722 = vector.shape_cast %broadcast_in_dim3A_721 : vector<16xi32> to vector<16x1xi32>
      %gather3A_723 = vector.shape_cast %broadcast_in_dim3A_722 : vector<16x1xi32> to vector<16xi32>
      %gather3A_724 = tpu.dynamic_gather %masked_sort3A_704[%gather3A_723] in [0] : vector<16xi32>, vector<16xi32> -> vector<16xi32>
      %shift_right_arithmetic3A_725 = arith.constant 3 : i32
      %shift_right_arithmetic3A_726 = vector.broadcast %shift_right_arithmetic3A_725 : i32 to vector<16xi32>
      %shift_right_arithmetic3A_727 = arith.shrsi %iota3A, %shift_right_arithmetic3A_726 : vector<16xi32>
      %add3A_728 = arith.constant 0 : i32
      %add3A_729 = vector.broadcast %add3A_728 : i32 to vector<16xi32>
      %add3A_730 = arith.addi %add3A_729, %shift_right_arithmetic3A_727 : vector<16xi32>
      %eq3A_731 = arith.cmpi eq, %add3A_730, %gather3A_709 : vector<16xi32>
      %eq3A_732 = arith.cmpi eq, %add3A_730, %gather3A_714 : vector<16xi32>
      %or3A_733 = arith.ori %eq3A_731, %eq3A_732 : vector<16xi1>
      %eq3A_734 = arith.cmpi eq, %add3A_730, %gather3A_719 : vector<16xi32>
      %or3A_735 = arith.ori %or3A_733, %eq3A_734 : vector<16xi1>
      %eq3A_736 = arith.cmpi eq, %add3A_730, %gather3A_724 : vector<16xi32>
      %or3A_737 = arith.ori %or3A_735, %eq3A_736 : vector<16xi1>
      %jit3A_738 = arith.constant 0.000000e+00 : f32
      %broadcast_in_dim3A_739 = vector.broadcast %jit3A_738 : f32 to vector<16xf32>
      %select_n3A_740 = arith.select %or3A_737, %add3A_473, %broadcast_in_dim3A_739 : vector<16xi1>, vector<16xf32>
      %add3A_741 = arith.constant 0 : i32
      %add3A_742 = vector.broadcast %add3A_741 : i32 to vector<16xi32>
      %add3A_743 = arith.addi %iota3A, %add3A_742 : vector<16xi32>
      %masked_sort3A_744 = arith.constant dense<true> : vector<16xi1>
      %masked_sort3A_745, %masked_sort3A_746, %masked_sort3A_747 = tpu.sort %select_n3A_740, %add3A_743 masked %masked_sort3A_744 {descending = true} : (vector<16xf32>, vector<16xi32>, vector<16xi1>) -> (vector<16xi1>, vector<16xf32>, vector<16xi32>)
      %shift_right_arithmetic3A_748 = arith.constant 3 : i32
      %shift_right_arithmetic3A_749 = vector.broadcast %shift_right_arithmetic3A_748 : i32 to vector<16xi32>
      %shift_right_arithmetic3A_750 = arith.shrsi %iota3A, %shift_right_arithmetic3A_749 : vector<16xi32>
      %add3A_751 = arith.constant 2 : i32
      %add3A_752 = vector.broadcast %add3A_751 : i32 to vector<16xi32>
      %add3A_753 = arith.addi %add3A_752, %shift_right_arithmetic3A_750 : vector<16xi32>
      %eq3A_754 = arith.cmpi eq, %add3A_753, %gather3A_709 : vector<16xi32>
      %eq3A_755 = arith.cmpi eq, %add3A_753, %gather3A_714 : vector<16xi32>
      %or3A_756 = arith.ori %eq3A_754, %eq3A_755 : vector<16xi1>
      %eq3A_757 = arith.cmpi eq, %add3A_753, %gather3A_719 : vector<16xi32>
      %or3A_758 = arith.ori %or3A_756, %eq3A_757 : vector<16xi1>
      %eq3A_759 = arith.cmpi eq, %add3A_753, %gather3A_724 : vector<16xi32>
      %or3A_760 = arith.ori %or3A_758, %eq3A_759 : vector<16xi1>
      %jit3A_761 = arith.constant 0.000000e+00 : f32
      %broadcast_in_dim3A_762 = vector.broadcast %jit3A_761 : f32 to vector<16xf32>
      %select_n3A_763 = arith.select %or3A_760, %add3A_474, %broadcast_in_dim3A_762 : vector<16xi1>, vector<16xf32>
      %add3A_764 = arith.constant 16 : i32
      %add3A_765 = vector.broadcast %add3A_764 : i32 to vector<16xi32>
      %add3A_766 = arith.addi %iota3A, %add3A_765 : vector<16xi32>
      %masked_sort3A_767 = arith.constant dense<true> : vector<16xi1>
      %masked_sort3A_768, %masked_sort3A_769, %masked_sort3A_770 = tpu.sort %select_n3A_763, %add3A_766 masked %masked_sort3A_767 {descending = true} : (vector<16xf32>, vector<16xi32>, vector<16xi1>) -> (vector<16xi1>, vector<16xf32>, vector<16xi32>)
      %shift_right_arithmetic3A_771 = arith.constant 3 : i32
      %shift_right_arithmetic3A_772 = vector.broadcast %shift_right_arithmetic3A_771 : i32 to vector<16xi32>
      %shift_right_arithmetic3A_773 = arith.shrsi %iota3A, %shift_right_arithmetic3A_772 : vector<16xi32>
      %add3A_774 = arith.constant 4 : i32
      %add3A_775 = vector.broadcast %add3A_774 : i32 to vector<16xi32>
      %add3A_776 = arith.addi %add3A_775, %shift_right_arithmetic3A_773 : vector<16xi32>
      %eq3A_777 = arith.cmpi eq, %add3A_776, %gather3A_709 : vector<16xi32>
      %eq3A_778 = arith.cmpi eq, %add3A_776, %gather3A_714 : vector<16xi32>
      %or3A_779 = arith.ori %eq3A_777, %eq3A_778 : vector<16xi1>
      %eq3A_780 = arith.cmpi eq, %add3A_776, %gather3A_719 : vector<16xi32>
      %or3A_781 = arith.ori %or3A_779, %eq3A_780 : vector<16xi1>
      %eq3A_782 = arith.cmpi eq, %add3A_776, %gather3A_724 : vector<16xi32>
      %or3A_783 = arith.ori %or3A_781, %eq3A_782 : vector<16xi1>
      %jit3A_784 = arith.constant 0.000000e+00 : f32
      %broadcast_in_dim3A_785 = vector.broadcast %jit3A_784 : f32 to vector<16xf32>
      %select_n3A_786 = arith.select %or3A_783, %add3A_475, %broadcast_in_dim3A_785 : vector<16xi1>, vector<16xf32>
      %add3A_787 = arith.constant 32 : i32
      %add3A_788 = vector.broadcast %add3A_787 : i32 to vector<16xi32>
      %add3A_789 = arith.addi %iota3A, %add3A_788 : vector<16xi32>
      %masked_sort3A_790 = arith.constant dense<true> : vector<16xi1>
      %masked_sort3A_791, %masked_sort3A_792, %masked_sort3A_793 = tpu.sort %select_n3A_786, %add3A_789 masked %masked_sort3A_790 {descending = true} : (vector<16xf32>, vector<16xi32>, vector<16xi1>) -> (vector<16xi1>, vector<16xf32>, vector<16xi32>)
      %shift_right_arithmetic3A_794 = arith.constant 3 : i32
      %shift_right_arithmetic3A_795 = vector.broadcast %shift_right_arithmetic3A_794 : i32 to vector<16xi32>
      %shift_right_arithmetic3A_796 = arith.shrsi %iota3A, %shift_right_arithmetic3A_795 : vector<16xi32>
      %add3A_797 = arith.constant 6 : i32
      %add3A_798 = vector.broadcast %add3A_797 : i32 to vector<16xi32>
      %add3A_799 = arith.addi %add3A_798, %shift_right_arithmetic3A_796 : vector<16xi32>
      %eq3A_800 = arith.cmpi eq, %add3A_799, %gather3A_709 : vector<16xi32>
      %eq3A_801 = arith.cmpi eq, %add3A_799, %gather3A_714 : vector<16xi32>
      %or3A_802 = arith.ori %eq3A_800, %eq3A_801 : vector<16xi1>
      %eq3A_803 = arith.cmpi eq, %add3A_799, %gather3A_719 : vector<16xi32>
      %or3A_804 = arith.ori %or3A_802, %eq3A_803 : vector<16xi1>
      %eq3A_805 = arith.cmpi eq, %add3A_799, %gather3A_724 : vector<16xi32>
      %or3A_806 = arith.ori %or3A_804, %eq3A_805 : vector<16xi1>
      %jit3A_807 = arith.constant 0.000000e+00 : f32
      %broadcast_in_dim3A_808 = vector.broadcast %jit3A_807 : f32 to vector<16xf32>
      %select_n3A_809 = arith.select %or3A_806, %add3A_476, %broadcast_in_dim3A_808 : vector<16xi1>, vector<16xf32>
      %add3A_810 = arith.constant 48 : i32
      %add3A_811 = vector.broadcast %add3A_810 : i32 to vector<16xi32>
      %add3A_812 = arith.addi %iota3A, %add3A_811 : vector<16xi32>
      %masked_sort3A_813 = arith.constant dense<true> : vector<16xi1>
      %masked_sort3A_814, %masked_sort3A_815, %masked_sort3A_816 = tpu.sort %select_n3A_809, %add3A_812 masked %masked_sort3A_813 {descending = true} : (vector<16xf32>, vector<16xi32>, vector<16xi1>) -> (vector<16xi1>, vector<16xf32>, vector<16xi32>)
      %lt3A_817 = arith.constant 8 : i32
      %lt3A_818 = vector.broadcast %lt3A_817 : i32 to vector<16xi32>
      %lt3A_819 = arith.cmpi slt, %iota3A, %lt3A_818 : vector<16xi32>
      %and3A_820 = arith.constant 7 : i32
      %and3A_821 = vector.broadcast %and3A_820 : i32 to vector<16xi32>
      %and3A_822 = arith.andi %iota3A, %and3A_821 : vector<16xi32>
      %broadcast_in_dim3A_823 = vector.shape_cast %and3A_822 : vector<16xi32> to vector<16x1xi32>
      %gather3A_824 = vector.shape_cast %broadcast_in_dim3A_823 : vector<16x1xi32> to vector<16xi32>
      %gather3A_825 = tpu.dynamic_gather %masked_sort3A_769[%gather3A_824] in [0] : vector<16xf32>, vector<16xi32> -> vector<16xf32>
      %select_n3A_826 = arith.select %lt3A_819, %masked_sort3A_746, %gather3A_825 : vector<16xi1>, vector<16xf32>
      %lt3A_827 = arith.constant 8 : i32
      %lt3A_828 = vector.broadcast %lt3A_827 : i32 to vector<16xi32>
      %lt3A_829 = arith.cmpi slt, %iota3A, %lt3A_828 : vector<16xi32>
      %and3A_830 = arith.constant 7 : i32
      %and3A_831 = vector.broadcast %and3A_830 : i32 to vector<16xi32>
      %and3A_832 = arith.andi %iota3A, %and3A_831 : vector<16xi32>
      %broadcast_in_dim3A_833 = vector.shape_cast %and3A_832 : vector<16xi32> to vector<16x1xi32>
      %gather3A_834 = vector.shape_cast %broadcast_in_dim3A_833 : vector<16x1xi32> to vector<16xi32>
      %gather3A_835 = tpu.dynamic_gather %masked_sort3A_770[%gather3A_834] in [0] : vector<16xi32>, vector<16xi32> -> vector<16xi32>
      %select_n3A_836 = arith.select %lt3A_829, %masked_sort3A_747, %gather3A_835 : vector<16xi1>, vector<16xi32>
      %masked_sort3A_837 = arith.constant dense<true> : vector<16xi1>
      %masked_sort3A_838, %masked_sort3A_839, %masked_sort3A_840 = tpu.sort %select_n3A_826, %select_n3A_836 masked %masked_sort3A_837 {descending = true} : (vector<16xf32>, vector<16xi32>, vector<16xi1>) -> (vector<16xi1>, vector<16xf32>, vector<16xi32>)
      %lt3A_841 = arith.constant 8 : i32
      %lt3A_842 = vector.broadcast %lt3A_841 : i32 to vector<16xi32>
      %lt3A_843 = arith.cmpi slt, %iota3A, %lt3A_842 : vector<16xi32>
      %and3A_844 = arith.constant 7 : i32
      %and3A_845 = vector.broadcast %and3A_844 : i32 to vector<16xi32>
      %and3A_846 = arith.andi %iota3A, %and3A_845 : vector<16xi32>
      %broadcast_in_dim3A_847 = vector.shape_cast %and3A_846 : vector<16xi32> to vector<16x1xi32>
      %gather3A_848 = vector.shape_cast %broadcast_in_dim3A_847 : vector<16x1xi32> to vector<16xi32>
      %gather3A_849 = tpu.dynamic_gather %masked_sort3A_815[%gather3A_848] in [0] : vector<16xf32>, vector<16xi32> -> vector<16xf32>
      %select_n3A_850 = arith.select %lt3A_843, %masked_sort3A_792, %gather3A_849 : vector<16xi1>, vector<16xf32>
      %lt3A_851 = arith.constant 8 : i32
      %lt3A_852 = vector.broadcast %lt3A_851 : i32 to vector<16xi32>
      %lt3A_853 = arith.cmpi slt, %iota3A, %lt3A_852 : vector<16xi32>
      %and3A_854 = arith.constant 7 : i32
      %and3A_855 = vector.broadcast %and3A_854 : i32 to vector<16xi32>
      %and3A_856 = arith.andi %iota3A, %and3A_855 : vector<16xi32>
      %broadcast_in_dim3A_857 = vector.shape_cast %and3A_856 : vector<16xi32> to vector<16x1xi32>
      %gather3A_858 = vector.shape_cast %broadcast_in_dim3A_857 : vector<16x1xi32> to vector<16xi32>
      %gather3A_859 = tpu.dynamic_gather %masked_sort3A_816[%gather3A_858] in [0] : vector<16xi32>, vector<16xi32> -> vector<16xi32>
      %select_n3A_860 = arith.select %lt3A_853, %masked_sort3A_793, %gather3A_859 : vector<16xi1>, vector<16xi32>
      %masked_sort3A_861 = arith.constant dense<true> : vector<16xi1>
      %masked_sort3A_862, %masked_sort3A_863, %masked_sort3A_864 = tpu.sort %select_n3A_850, %select_n3A_860 masked %masked_sort3A_861 {descending = true} : (vector<16xf32>, vector<16xi32>, vector<16xi1>) -> (vector<16xi1>, vector<16xf32>, vector<16xi32>)
      %lt3A_865 = arith.constant 8 : i32
      %lt3A_866 = vector.broadcast %lt3A_865 : i32 to vector<16xi32>
      %lt3A_867 = arith.cmpi slt, %iota3A, %lt3A_866 : vector<16xi32>
      %and3A_868 = arith.constant 7 : i32
      %and3A_869 = vector.broadcast %and3A_868 : i32 to vector<16xi32>
      %and3A_870 = arith.andi %iota3A, %and3A_869 : vector<16xi32>
      %broadcast_in_dim3A_871 = vector.shape_cast %and3A_870 : vector<16xi32> to vector<16x1xi32>
      %gather3A_872 = vector.shape_cast %broadcast_in_dim3A_871 : vector<16x1xi32> to vector<16xi32>
      %gather3A_873 = tpu.dynamic_gather %masked_sort3A_863[%gather3A_872] in [0] : vector<16xf32>, vector<16xi32> -> vector<16xf32>
      %select_n3A_874 = arith.select %lt3A_867, %masked_sort3A_839, %gather3A_873 : vector<16xi1>, vector<16xf32>
      %lt3A_875 = arith.constant 8 : i32
      %lt3A_876 = vector.broadcast %lt3A_875 : i32 to vector<16xi32>
      %lt3A_877 = arith.cmpi slt, %iota3A, %lt3A_876 : vector<16xi32>
      %and3A_878 = arith.constant 7 : i32
      %and3A_879 = vector.broadcast %and3A_878 : i32 to vector<16xi32>
      %and3A_880 = arith.andi %iota3A, %and3A_879 : vector<16xi32>
      %broadcast_in_dim3A_881 = vector.shape_cast %and3A_880 : vector<16xi32> to vector<16x1xi32>
      %gather3A_882 = vector.shape_cast %broadcast_in_dim3A_881 : vector<16x1xi32> to vector<16xi32>
      %gather3A_883 = tpu.dynamic_gather %masked_sort3A_864[%gather3A_882] in [0] : vector<16xi32>, vector<16xi32> -> vector<16xi32>
      %select_n3A_884 = arith.select %lt3A_877, %masked_sort3A_840, %gather3A_883 : vector<16xi1>, vector<16xi32>
      %masked_sort3A_885 = arith.constant dense<true> : vector<16xi1>
      %masked_sort3A_886, %masked_sort3A_887, %masked_sort3A_888 = tpu.sort %select_n3A_874, %select_n3A_884 masked %masked_sort3A_885 {descending = true} : (vector<16xf32>, vector<16xi32>, vector<16xi1>) -> (vector<16xi1>, vector<16xf32>, vector<16xi32>)
      %broadcast_in_dim3A_889 = vector.broadcast %add3A_460 : i32 to vector<16xi32>
      %gather3A_890 = tpu.vector_load_idx %arg6[%broadcast_in_dim3A_889, %masked_sort3A_888] : memref<64x64xf32, #tpu.memory_space<vmem>>[vector<16xi32>, vector<16xi32>], vector<16xf32>,
      %lt3A_891 = arith.constant 8 : i32
      %lt3A_892 = vector.broadcast %lt3A_891 : i32 to vector<16xi32>
      %lt3A_893 = arith.cmpi slt, %iota3A, %lt3A_892 : vector<16xi32>
      %jit3A_894 = arith.constant 0.000000e+00 : f32
      %broadcast_in_dim3A_895 = vector.broadcast %jit3A_894 : f32 to vector<16xf32>
      %select_n3A_896 = arith.select %lt3A_893, %gather3A_890, %broadcast_in_dim3A_895 : vector<16xi1>, vector<16xf32>
      %reduce_sum3A_897 = arith.constant true
      %reduce_sum3A_898 = vector.broadcast %reduce_sum3A_897 : i1 to vector<16xi1>
      %reduce_sum3A_899 = tpu.scan <sum>, %select_n3A_896 masked %reduce_sum3A_898 : vector<16xf32>, vector<16xi1> -> vector<16xf32>
      %reduce_sum3A_900 = vector.extract %reduce_sum3A_899[15] : f32 from vector<16xf32>
      %broadcast_in_dim3A_901 = vector.broadcast %reduce_sum3A_900 : f32 to vector<16xf32>
      %add3A_902 = arith.constant 9.99999968E-21 : f32
      %add3A_903 = vector.broadcast %add3A_902 : f32 to vector<16xf32>
      %add3A_904 = arith.addf %broadcast_in_dim3A_901, %add3A_903 : vector<16xf32>
      %div3A_905 = arith.constant 2.500000e+00 : f32
      %div3A_906 = vector.broadcast %div3A_905 : f32 to vector<16xf32>
      %div3A_907 = arith.divf %div3A_906, %add3A_904 : vector<16xf32>
      %mul3A_908 = arith.mulf %select_n3A_896, %div3A_907 : vector<16xf32>
      %lt3A_909 = arith.constant 8 : i32
      %lt3A_910 = vector.broadcast %lt3A_909 : i32 to vector<16xi32>
      %lt3A_911 = arith.cmpi slt, %iota3A, %lt3A_910 : vector<16xi32>
      %and3A_912 = arith.constant 7 : i32
      %and3A_913 = vector.broadcast %and3A_912 : i32 to vector<16xi32>
      %and3A_914 = arith.andi %iota3A, %and3A_913 : vector<16xi32>
      %broadcast_in_dim3A_915 = vector.shape_cast %and3A_914 : vector<16xi32> to vector<16x1xi32>
      %gather3A_916 = vector.shape_cast %broadcast_in_dim3A_915 : vector<16x1xi32> to vector<16xi32>
      %gather3A_917 = tpu.dynamic_gather %mul3A_908[%gather3A_916] in [0] : vector<16xf32>, vector<16xi32> -> vector<16xf32>
      %select_n3A_918 = arith.select %lt3A_911, %mul3A_456, %gather3A_917 : vector<16xi1>, vector<16xf32>
      %lt3A_919 = arith.constant 8 : i32
      %lt3A_920 = vector.broadcast %lt3A_919 : i32 to vector<16xi32>
      %lt3A_921 = arith.cmpi slt, %iota3A, %lt3A_920 : vector<16xi32>
      %and3A_922 = arith.constant 7 : i32
      %and3A_923 = vector.broadcast %and3A_922 : i32 to vector<16xi32>
      %and3A_924 = arith.andi %iota3A, %and3A_923 : vector<16xi32>
      %broadcast_in_dim3A_925 = vector.shape_cast %and3A_924 : vector<16xi32> to vector<16x1xi32>
      %gather3A_926 = vector.shape_cast %broadcast_in_dim3A_925 : vector<16x1xi32> to vector<16xi32>
      %gather3A_927 = tpu.dynamic_gather %masked_sort3A_888[%gather3A_926] in [0] : vector<16xi32>, vector<16xi32> -> vector<16xi32>
      %select_n3A_928 = arith.select %lt3A_921, %masked_sort3A_438, %gather3A_927 : vector<16xi1>, vector<16xi32>
      %mul3A_929 = arith.constant 16 : i32
      %mul3A_930 = arith.muli %scan3A_20, %mul3A_929 : i32
      %swap3A = arith.index_cast %mul3A_930 : i32 to index
      %swap3A_931 = tpu.vector_load %arg8[%swap3A] {strides = array<i32>} : memref<512xf32, #tpu.memory_space<vmem>>, vector<16xf32>,
      tpu.vector_store %arg8[%swap3A], %select_n3A_918 {strides = array<i32>} : memref<512xf32, #tpu.memory_space<vmem>>, vector<16xf32>,
      %mul3A_932 = arith.constant 16 : i32
      %mul3A_933 = arith.muli %scan3A_20, %mul3A_932 : i32
      %swap3A_934 = arith.index_cast %mul3A_933 : i32 to index
      %swap3A_935 = tpu.vector_load %arg9[%swap3A_934] {strides = array<i32>} : memref<512xi32, #tpu.memory_space<vmem>>, vector<16xi32>,
      tpu.vector_store %arg9[%swap3A_934], %select_n3A_928 {strides = array<i32>} : memref<512xi32, #tpu.memory_space<vmem>>, vector<16xi32>,
    }
    %scan3A_15 = arith.constant 32 : i32
    %mul3A_16 = arith.constant 8 : i32
    %mul3A_17 = arith.muli %mul3A_2, %mul3A_16 : i32
    "tpu.region"() ({
      %run_scoped3A = tpu.sem_alloc : memref<!tpu.dma_semaphore, #tpu.memory_space<semaphore_mem>>
      %dma_start3A = tpu.memref_slice %arg4[%mul3A_17] : memref<16384xf32, #tpu.memory_space<hbm>> -> memref<512xf32, #tpu.memory_space<hbm>>
      %dma_start3A_20 = tpu.memref_slice %arg4[%mul3A_17] : memref<16384xf32, #tpu.memory_space<hbm>> -> memref<512xf32, #tpu.memory_space<hbm>>
      tpu.enqueue_dma source(%arg8 : memref<512xf32, #tpu.memory_space<vmem>>) target(%dma_start3A_20 : memref<512xf32, #tpu.memory_space<hbm>>) target_semaphore(%run_scoped3A : memref<!tpu.dma_semaphore, #tpu.memory_space<semaphore_mem>>)
      %dma_wait3A = tpu.memref_slice %arg4[%mul3A_17] : memref<16384xf32, #tpu.memory_space<hbm>> -> memref<512xf32, #tpu.memory_space<hbm>>
      %dma_wait3A_21 = tpu.memref_slice %arg4[%mul3A_17] : memref<16384xf32, #tpu.memory_space<hbm>> -> memref<512xf32, #tpu.memory_space<hbm>>
      tpu.wait_dma2 semaphore(%run_scoped3A : memref<!tpu.dma_semaphore, #tpu.memory_space<semaphore_mem>>) src(%arg8 : memref<512xf32, #tpu.memory_space<vmem>>) dst(%dma_wait3A_21 : memref<512xf32, #tpu.memory_space<hbm>>)
      tpu.yield
    }) : () -> ()
    %mul3A_18 = arith.constant 8 : i32
    %mul3A_19 = arith.muli %mul3A_2, %mul3A_18 : i32
    "tpu.region"() ({
      %run_scoped3A = tpu.sem_alloc : memref<!tpu.dma_semaphore, #tpu.memory_space<semaphore_mem>>
      %dma_start3A = tpu.memref_slice %arg5[%mul3A_19] : memref<16384xi32, #tpu.memory_space<hbm>> -> memref<512xi32, #tpu.memory_space<hbm>>
      %dma_start3A_20 = tpu.memref_slice %arg5[%mul3A_19] : memref<16384xi32, #tpu.memory_space<hbm>> -> memref<512xi32, #tpu.memory_space<hbm>>
      tpu.enqueue_dma source(%arg9 : memref<512xi32, #tpu.memory_space<vmem>>) target(%dma_start3A_20 : memref<512xi32, #tpu.memory_space<hbm>>) target_semaphore(%run_scoped3A : memref<!tpu.dma_semaphore, #tpu.memory_space<semaphore_mem>>)
      %dma_wait3A = tpu.memref_slice %arg5[%mul3A_19] : memref<16384xi32, #tpu.memory_space<hbm>> -> memref<512xi32, #tpu.memory_space<hbm>>
      %dma_wait3A_21 = tpu.memref_slice %arg5[%mul3A_19] : memref<16384xi32, #tpu.memory_space<hbm>> -> memref<512xi32, #tpu.memory_space<hbm>>
      tpu.wait_dma2 semaphore(%run_scoped3A : memref<!tpu.dma_semaphore, #tpu.memory_space<semaphore_mem>>) src(%arg9 : memref<512xi32, #tpu.memory_space<vmem>>) dst(%dma_wait3A_21 : memref<512xi32, #tpu.memory_space<hbm>>)
      tpu.yield
    }) : () -> ()
    return
  }
}

module attributes {stable_mosaic.version = 14 : i64} {
  func.func @_score_block(%arg0: i32, %arg1: memref<1024x2048xf32, #tpu.memory_space<vmem>>, %arg2: memref<2048x64xf32, #tpu.memory_space<vmem>>, %arg3: memref<1024x64xf32, #tpu.memory_space<vmem>>) attributes {dimension_semantics = [#tpu.dimension_semantics<arbitrary>], iteration_bounds = array<i64: 2>, scalar_prefetch = 0 : i64, scratch_operands = 0 : i64, tpu.core_type = #tpu.core_type<tc>, window_params = [{transform_indices = @transform_0, window_bounds = array<i64: 1024, 2048>}, {pipeline_mode = #tpu.pipeline_mode<synchronous>, transform_indices = @transform_1, window_bounds = array<i64: 2048, 64>}, {transform_indices = @transform_2, window_bounds = array<i64: 1024, 64>}]} {
    %get3A = arith.constant 0 : index
    %get3A_0 = arith.constant 0 : index
    %get3A_1 = vector.load %arg1[%get3A, %get3A_0] : memref<1024x2048xf32, #tpu.memory_space<vmem>>, vector<1024x2048xf32>
    %get3A_2 = arith.constant 0 : index
    %get3A_3 = arith.constant 0 : index
    %get3A_4 = vector.load %arg2[%get3A_2, %get3A_3] : memref<2048x64xf32, #tpu.memory_space<vmem>>, vector<2048x64xf32>
    %dot_general3A = arith.constant dense<0.000000e+00> : vector<1024x64xf32>
    %dot_general3A_5 = tpu.matmul %get3A_1, %get3A_4, %dot_general3A {dimension_numbers = #tpu.dot_dimension_numbers<[1], [0], [0], [1], [0, 0, 1, 1], [], []>, transpose_lhs_hint = false} : vector<1024x2048xf32>, vector<2048x64xf32>, vector<1024x64xf32> -> vector<1024x64xf32>
    %logistic3A = arith.negf %dot_general3A_5 : vector<1024x64xf32>
    %logistic3A_6 = math.exp %logistic3A : vector<1024x64xf32>
    %logistic3A_7 = arith.constant 1.000000e+00 : f32
    %logistic3A_8 = vector.broadcast %logistic3A_7 : f32 to vector<1024x64xf32>
    %logistic3A_9 = arith.addf %logistic3A_8, %logistic3A_6 : vector<1024x64xf32>
    %logistic3A_10 = arith.divf %logistic3A_8, %logistic3A_9 : vector<1024x64xf32>
    %swap3A = arith.constant 0 : index
    %swap3A_11 = arith.constant 0 : index
    %swap3A_12 = vector.load %arg3[%swap3A, %swap3A_11] : memref<1024x64xf32, #tpu.memory_space<vmem>>, vector<1024x64xf32>
    tpu.vector_store %arg3[%swap3A, %swap3A_11], %logistic3A_10 {strides = array<i32>} : memref<1024x64xf32, #tpu.memory_space<vmem>>, vector<1024x64xf32>,
    return
  }
  func.func @transform_0(%arg0: i32) -> (i32, i32) {
    %c0_i32 = arith.constant 0 : i32
    %c0_i32_0 = arith.constant 0 : i32
    return %arg0, %c0_i32 : i32, i32
  }
  func.func @transform_1(%arg0: i32) -> (i32, i32) {
    %c0_i32 = arith.constant 0 : i32
    %c0_i32_0 = arith.constant 0 : i32
    %c0_i32_1 = arith.constant 0 : i32
    return %c0_i32, %c0_i32_0 : i32, i32
  }
  func.func @transform_2(%arg0: i32) -> (i32, i32) {
    %c0_i32 = arith.constant 0 : i32
    %c0_i32_0 = arith.constant 0 : i32
    return %arg0, %c0_i32 : i32, i32
  }
}

module attributes {stable_mosaic.version = 14 : i64} {
  func.func @_router_block(%arg0: i32, %arg1: memref<1024x2048xf32, #tpu.memory_space<vmem>>, %arg2: memref<2048x64xf32, #tpu.memory_space<vmem>>, %arg3: memref<64x1xf32, #tpu.memory_space<vmem>>, %arg4: memref<1024x8xf32, #tpu.memory_space<vmem>>, %arg5: memref<1024x8xi32, #tpu.memory_space<vmem>>) attributes {dimension_semantics = [#tpu.dimension_semantics<arbitrary>], iteration_bounds = array<i64: 6>, scalar_prefetch = 0 : i64, scratch_operands = 0 : i64, tpu.core_type = #tpu.core_type<tc>, window_params = [{transform_indices = @transform_0, window_bounds = array<i64: 1024, 2048>}, {pipeline_mode = #tpu.pipeline_mode<synchronous>, transform_indices = @transform_1, window_bounds = array<i64: 2048, 64>}, {pipeline_mode = #tpu.pipeline_mode<synchronous>, transform_indices = @transform_2, window_bounds = array<i64: 64, 1>}, {transform_indices = @transform_3, window_bounds = array<i64: 1024, 8>}, {transform_indices = @transform_4, window_bounds = array<i64: 1024, 8>}]} {
    %get3A = arith.constant 0 : index
    %get3A_0 = arith.constant 0 : index
    %get3A_1 = vector.load %arg1[%get3A, %get3A_0] : memref<1024x2048xf32, #tpu.memory_space<vmem>>, vector<1024x2048xf32>
    %get3A_2 = arith.constant 0 : index
    %get3A_3 = arith.constant 0 : index
    %get3A_4 = vector.load %arg2[%get3A_2, %get3A_3] : memref<2048x64xf32, #tpu.memory_space<vmem>>, vector<2048x64xf32>
    %dot_general3A = arith.constant dense<0.000000e+00> : vector<1024x64xf32>
    %dot_general3A_5 = tpu.matmul %get3A_1, %get3A_4, %dot_general3A {dimension_numbers = #tpu.dot_dimension_numbers<[1], [0], [0], [1], [0, 0, 1, 1], [], []>, transpose_lhs_hint = false} : vector<1024x2048xf32>, vector<2048x64xf32>, vector<1024x64xf32> -> vector<1024x64xf32>
    %logistic3A = arith.negf %dot_general3A_5 : vector<1024x64xf32>
    %logistic3A_6 = math.exp %logistic3A : vector<1024x64xf32>
    %logistic3A_7 = arith.constant 1.000000e+00 : f32
    %logistic3A_8 = vector.broadcast %logistic3A_7 : f32 to vector<1024x64xf32>
    %logistic3A_9 = arith.addf %logistic3A_8, %logistic3A_6 : vector<1024x64xf32>
    %logistic3A_10 = arith.divf %logistic3A_8, %logistic3A_9 : vector<1024x64xf32>
    %transpose3A = tpu.transpose %logistic3A_10, [1, 0] : vector<1024x64xf32> -> vector<64x1024xf32>
    %get3A_11 = arith.constant 0 : index
    %get3A_12 = arith.constant 0 : index
    %get3A_13 = vector.load %arg3[%get3A_11, %get3A_12] : memref<64x1xf32, #tpu.memory_space<vmem>>, vector<64x1xf32>
    %add3A = vector.broadcast %get3A_13 : vector<64x1xf32> to vector<64x1024xf32>
    %add3A_14 = arith.addf %transpose3A, %add3A : vector<64x1024xf32>
    %reshape3A = vector.shape_cast %transpose3A : vector<64x1024xf32> to vector<8x8x1024xf32>
    %reshape3A_15 = vector.shape_cast %add3A_14 : vector<64x1024xf32> to vector<8x8x1024xf32>
    %iota3A = tpu.iota {dimensions = array<i32: 0>} : vector<8x1024xi32>
    %slice3A = vector.extract_strided_slice %reshape3A_15 {offsets = [0, 0, 0], sizes = [1, 8, 1024], strides = [1, 1, 1]} : vector<8x8x1024xf32> to vector<1x8x1024xf32>
    %squeeze3A = vector.shape_cast %slice3A : vector<1x8x1024xf32> to vector<8x1024xf32>
    %reduce_max3A = arith.constant dense<0xFF800000> : vector<1024xf32>
    %reduce_max3A_16 = vector.multi_reduction <maximumf>, %squeeze3A, %reduce_max3A [0] : vector<8x1024xf32> to vector<1024xf32>
    %broadcast_in_dim3A = vector.shape_cast %reduce_max3A_16 : vector<1024xf32> to vector<1x1024xf32>
    %eq3A = vector.broadcast %broadcast_in_dim3A : vector<1x1024xf32> to vector<8x1024xf32>
    %eq3A_17 = arith.cmpf oeq, %squeeze3A, %eq3A : vector<8x1024xf32>
    %jit3A = arith.constant 8 : i32
    %broadcast_in_dim3A_18 = vector.broadcast %jit3A : i32 to vector<8x1024xi32>
    %select_n3A = arith.select %eq3A_17, %iota3A, %broadcast_in_dim3A_18 : vector<8x1024xi1>, vector<8x1024xi32>
    %reduce_min3A = arith.constant dense<2147483647> : vector<1024xi32>
    %reduce_min3A_19 = vector.multi_reduction <minsi>, %select_n3A, %reduce_min3A [0] : vector<8x1024xi32> to vector<1024xi32>
    %broadcast_in_dim3A_20 = vector.shape_cast %reduce_min3A_19 : vector<1024xi32> to vector<1x1024xi32>
    %eq3A_21 = vector.broadcast %broadcast_in_dim3A_20 : vector<1x1024xi32> to vector<8x1024xi32>
    %eq3A_22 = arith.cmpi eq, %iota3A, %eq3A_21 : vector<8x1024xi32>
    %jit3A_23 = arith.constant -1.000000e+30 : f32
    %broadcast_in_dim3A_24 = vector.broadcast %jit3A_23 : f32 to vector<8x1024xf32>
    %select_n3A_25 = arith.select %eq3A_22, %broadcast_in_dim3A_24, %squeeze3A : vector<8x1024xi1>, vector<8x1024xf32>
    %reduce_max3A_26 = arith.constant dense<0xFF800000> : vector<1024xf32>
    %reduce_max3A_27 = vector.multi_reduction <maximumf>, %select_n3A_25, %reduce_max3A_26 [0] : vector<8x1024xf32> to vector<1024xf32>
    %broadcast_in_dim3A_28 = vector.shape_cast %reduce_max3A_27 : vector<1024xf32> to vector<1x1024xf32>
    %add3A_29 = arith.addf %broadcast_in_dim3A, %broadcast_in_dim3A_28 : vector<1x1024xf32>
    %slice3A_30 = vector.extract_strided_slice %reshape3A_15 {offsets = [1, 0, 0], sizes = [1, 8, 1024], strides = [1, 1, 1]} : vector<8x8x1024xf32> to vector<1x8x1024xf32>
    %squeeze3A_31 = vector.shape_cast %slice3A_30 : vector<1x8x1024xf32> to vector<8x1024xf32>
    %reduce_max3A_32 = arith.constant dense<0xFF800000> : vector<1024xf32>
    %reduce_max3A_33 = vector.multi_reduction <maximumf>, %squeeze3A_31, %reduce_max3A_32 [0] : vector<8x1024xf32> to vector<1024xf32>
    %broadcast_in_dim3A_34 = vector.shape_cast %reduce_max3A_33 : vector<1024xf32> to vector<1x1024xf32>
    %eq3A_35 = vector.broadcast %broadcast_in_dim3A_34 : vector<1x1024xf32> to vector<8x1024xf32>
    %eq3A_36 = arith.cmpf oeq, %squeeze3A_31, %eq3A_35 : vector<8x1024xf32>
    %jit3A_37 = arith.constant 8 : i32
    %broadcast_in_dim3A_38 = vector.broadcast %jit3A_37 : i32 to vector<8x1024xi32>
    %select_n3A_39 = arith.select %eq3A_36, %iota3A, %broadcast_in_dim3A_38 : vector<8x1024xi1>, vector<8x1024xi32>
    %reduce_min3A_40 = arith.constant dense<2147483647> : vector<1024xi32>
    %reduce_min3A_41 = vector.multi_reduction <minsi>, %select_n3A_39, %reduce_min3A_40 [0] : vector<8x1024xi32> to vector<1024xi32>
    %broadcast_in_dim3A_42 = vector.shape_cast %reduce_min3A_41 : vector<1024xi32> to vector<1x1024xi32>
    %eq3A_43 = vector.broadcast %broadcast_in_dim3A_42 : vector<1x1024xi32> to vector<8x1024xi32>
    %eq3A_44 = arith.cmpi eq, %iota3A, %eq3A_43 : vector<8x1024xi32>
    %jit3A_45 = arith.constant -1.000000e+30 : f32
    %broadcast_in_dim3A_46 = vector.broadcast %jit3A_45 : f32 to vector<8x1024xf32>
    %select_n3A_47 = arith.select %eq3A_44, %broadcast_in_dim3A_46, %squeeze3A_31 : vector<8x1024xi1>, vector<8x1024xf32>
    %reduce_max3A_48 = arith.constant dense<0xFF800000> : vector<1024xf32>
    %reduce_max3A_49 = vector.multi_reduction <maximumf>, %select_n3A_47, %reduce_max3A_48 [0] : vector<8x1024xf32> to vector<1024xf32>
    %broadcast_in_dim3A_50 = vector.shape_cast %reduce_max3A_49 : vector<1024xf32> to vector<1x1024xf32>
    %add3A_51 = arith.addf %broadcast_in_dim3A_34, %broadcast_in_dim3A_50 : vector<1x1024xf32>
    %slice3A_52 = vector.extract_strided_slice %reshape3A_15 {offsets = [2, 0, 0], sizes = [1, 8, 1024], strides = [1, 1, 1]} : vector<8x8x1024xf32> to vector<1x8x1024xf32>
    %squeeze3A_53 = vector.shape_cast %slice3A_52 : vector<1x8x1024xf32> to vector<8x1024xf32>
    %reduce_max3A_54 = arith.constant dense<0xFF800000> : vector<1024xf32>
    %reduce_max3A_55 = vector.multi_reduction <maximumf>, %squeeze3A_53, %reduce_max3A_54 [0] : vector<8x1024xf32> to vector<1024xf32>
    %broadcast_in_dim3A_56 = vector.shape_cast %reduce_max3A_55 : vector<1024xf32> to vector<1x1024xf32>
    %eq3A_57 = vector.broadcast %broadcast_in_dim3A_56 : vector<1x1024xf32> to vector<8x1024xf32>
    %eq3A_58 = arith.cmpf oeq, %squeeze3A_53, %eq3A_57 : vector<8x1024xf32>
    %jit3A_59 = arith.constant 8 : i32
    %broadcast_in_dim3A_60 = vector.broadcast %jit3A_59 : i32 to vector<8x1024xi32>
    %select_n3A_61 = arith.select %eq3A_58, %iota3A, %broadcast_in_dim3A_60 : vector<8x1024xi1>, vector<8x1024xi32>
    %reduce_min3A_62 = arith.constant dense<2147483647> : vector<1024xi32>
    %reduce_min3A_63 = vector.multi_reduction <minsi>, %select_n3A_61, %reduce_min3A_62 [0] : vector<8x1024xi32> to vector<1024xi32>
    %broadcast_in_dim3A_64 = vector.shape_cast %reduce_min3A_63 : vector<1024xi32> to vector<1x1024xi32>
    %eq3A_65 = vector.broadcast %broadcast_in_dim3A_64 : vector<1x1024xi32> to vector<8x1024xi32>
    %eq3A_66 = arith.cmpi eq, %iota3A, %eq3A_65 : vector<8x1024xi32>
    %jit3A_67 = arith.constant -1.000000e+30 : f32
    %broadcast_in_dim3A_68 = vector.broadcast %jit3A_67 : f32 to vector<8x1024xf32>
    %select_n3A_69 = arith.select %eq3A_66, %broadcast_in_dim3A_68, %squeeze3A_53 : vector<8x1024xi1>, vector<8x1024xf32>
    %reduce_max3A_70 = arith.constant dense<0xFF800000> : vector<1024xf32>
    %reduce_max3A_71 = vector.multi_reduction <maximumf>, %select_n3A_69, %reduce_max3A_70 [0] : vector<8x1024xf32> to vector<1024xf32>
    %broadcast_in_dim3A_72 = vector.shape_cast %reduce_max3A_71 : vector<1024xf32> to vector<1x1024xf32>
    %add3A_73 = arith.addf %broadcast_in_dim3A_56, %broadcast_in_dim3A_72 : vector<1x1024xf32>
    %slice3A_74 = vector.extract_strided_slice %reshape3A_15 {offsets = [3, 0, 0], sizes = [1, 8, 1024], strides = [1, 1, 1]} : vector<8x8x1024xf32> to vector<1x8x1024xf32>
    %squeeze3A_75 = vector.shape_cast %slice3A_74 : vector<1x8x1024xf32> to vector<8x1024xf32>
    %reduce_max3A_76 = arith.constant dense<0xFF800000> : vector<1024xf32>
    %reduce_max3A_77 = vector.multi_reduction <maximumf>, %squeeze3A_75, %reduce_max3A_76 [0] : vector<8x1024xf32> to vector<1024xf32>
    %broadcast_in_dim3A_78 = vector.shape_cast %reduce_max3A_77 : vector<1024xf32> to vector<1x1024xf32>
    %eq3A_79 = vector.broadcast %broadcast_in_dim3A_78 : vector<1x1024xf32> to vector<8x1024xf32>
    %eq3A_80 = arith.cmpf oeq, %squeeze3A_75, %eq3A_79 : vector<8x1024xf32>
    %jit3A_81 = arith.constant 8 : i32
    %broadcast_in_dim3A_82 = vector.broadcast %jit3A_81 : i32 to vector<8x1024xi32>
    %select_n3A_83 = arith.select %eq3A_80, %iota3A, %broadcast_in_dim3A_82 : vector<8x1024xi1>, vector<8x1024xi32>
    %reduce_min3A_84 = arith.constant dense<2147483647> : vector<1024xi32>
    %reduce_min3A_85 = vector.multi_reduction <minsi>, %select_n3A_83, %reduce_min3A_84 [0] : vector<8x1024xi32> to vector<1024xi32>
    %broadcast_in_dim3A_86 = vector.shape_cast %reduce_min3A_85 : vector<1024xi32> to vector<1x1024xi32>
    %eq3A_87 = vector.broadcast %broadcast_in_dim3A_86 : vector<1x1024xi32> to vector<8x1024xi32>
    %eq3A_88 = arith.cmpi eq, %iota3A, %eq3A_87 : vector<8x1024xi32>
    %jit3A_89 = arith.constant -1.000000e+30 : f32
    %broadcast_in_dim3A_90 = vector.broadcast %jit3A_89 : f32 to vector<8x1024xf32>
    %select_n3A_91 = arith.select %eq3A_88, %broadcast_in_dim3A_90, %squeeze3A_75 : vector<8x1024xi1>, vector<8x1024xf32>
    %reduce_max3A_92 = arith.constant dense<0xFF800000> : vector<1024xf32>
    %reduce_max3A_93 = vector.multi_reduction <maximumf>, %select_n3A_91, %reduce_max3A_92 [0] : vector<8x1024xf32> to vector<1024xf32>
    %broadcast_in_dim3A_94 = vector.shape_cast %reduce_max3A_93 : vector<1024xf32> to vector<1x1024xf32>
    %add3A_95 = arith.addf %broadcast_in_dim3A_78, %broadcast_in_dim3A_94 : vector<1x1024xf32>
    %slice3A_96 = vector.extract_strided_slice %reshape3A_15 {offsets = [4, 0, 0], sizes = [1, 8, 1024], strides = [1, 1, 1]} : vector<8x8x1024xf32> to vector<1x8x1024xf32>
    %squeeze3A_97 = vector.shape_cast %slice3A_96 : vector<1x8x1024xf32> to vector<8x1024xf32>
    %reduce_max3A_98 = arith.constant dense<0xFF800000> : vector<1024xf32>
    %reduce_max3A_99 = vector.multi_reduction <maximumf>, %squeeze3A_97, %reduce_max3A_98 [0] : vector<8x1024xf32> to vector<1024xf32>
    %broadcast_in_dim3A_100 = vector.shape_cast %reduce_max3A_99 : vector<1024xf32> to vector<1x1024xf32>
    %eq3A_101 = vector.broadcast %broadcast_in_dim3A_100 : vector<1x1024xf32> to vector<8x1024xf32>
    %eq3A_102 = arith.cmpf oeq, %squeeze3A_97, %eq3A_101 : vector<8x1024xf32>
    %jit3A_103 = arith.constant 8 : i32
    %broadcast_in_dim3A_104 = vector.broadcast %jit3A_103 : i32 to vector<8x1024xi32>
    %select_n3A_105 = arith.select %eq3A_102, %iota3A, %broadcast_in_dim3A_104 : vector<8x1024xi1>, vector<8x1024xi32>
    %reduce_min3A_106 = arith.constant dense<2147483647> : vector<1024xi32>
    %reduce_min3A_107 = vector.multi_reduction <minsi>, %select_n3A_105, %reduce_min3A_106 [0] : vector<8x1024xi32> to vector<1024xi32>
    %broadcast_in_dim3A_108 = vector.shape_cast %reduce_min3A_107 : vector<1024xi32> to vector<1x1024xi32>
    %eq3A_109 = vector.broadcast %broadcast_in_dim3A_108 : vector<1x1024xi32> to vector<8x1024xi32>
    %eq3A_110 = arith.cmpi eq, %iota3A, %eq3A_109 : vector<8x1024xi32>
    %jit3A_111 = arith.constant -1.000000e+30 : f32
    %broadcast_in_dim3A_112 = vector.broadcast %jit3A_111 : f32 to vector<8x1024xf32>
    %select_n3A_113 = arith.select %eq3A_110, %broadcast_in_dim3A_112, %squeeze3A_97 : vector<8x1024xi1>, vector<8x1024xf32>
    %reduce_max3A_114 = arith.constant dense<0xFF800000> : vector<1024xf32>
    %reduce_max3A_115 = vector.multi_reduction <maximumf>, %select_n3A_113, %reduce_max3A_114 [0] : vector<8x1024xf32> to vector<1024xf32>
    %broadcast_in_dim3A_116 = vector.shape_cast %reduce_max3A_115 : vector<1024xf32> to vector<1x1024xf32>
    %add3A_117 = arith.addf %broadcast_in_dim3A_100, %broadcast_in_dim3A_116 : vector<1x1024xf32>
    %slice3A_118 = vector.extract_strided_slice %reshape3A_15 {offsets = [5, 0, 0], sizes = [1, 8, 1024], strides = [1, 1, 1]} : vector<8x8x1024xf32> to vector<1x8x1024xf32>
    %squeeze3A_119 = vector.shape_cast %slice3A_118 : vector<1x8x1024xf32> to vector<8x1024xf32>
    %reduce_max3A_120 = arith.constant dense<0xFF800000> : vector<1024xf32>
    %reduce_max3A_121 = vector.multi_reduction <maximumf>, %squeeze3A_119, %reduce_max3A_120 [0] : vector<8x1024xf32> to vector<1024xf32>
    %broadcast_in_dim3A_122 = vector.shape_cast %reduce_max3A_121 : vector<1024xf32> to vector<1x1024xf32>
    %eq3A_123 = vector.broadcast %broadcast_in_dim3A_122 : vector<1x1024xf32> to vector<8x1024xf32>
    %eq3A_124 = arith.cmpf oeq, %squeeze3A_119, %eq3A_123 : vector<8x1024xf32>
    %jit3A_125 = arith.constant 8 : i32
    %broadcast_in_dim3A_126 = vector.broadcast %jit3A_125 : i32 to vector<8x1024xi32>
    %select_n3A_127 = arith.select %eq3A_124, %iota3A, %broadcast_in_dim3A_126 : vector<8x1024xi1>, vector<8x1024xi32>
    %reduce_min3A_128 = arith.constant dense<2147483647> : vector<1024xi32>
    %reduce_min3A_129 = vector.multi_reduction <minsi>, %select_n3A_127, %reduce_min3A_128 [0] : vector<8x1024xi32> to vector<1024xi32>
    %broadcast_in_dim3A_130 = vector.shape_cast %reduce_min3A_129 : vector<1024xi32> to vector<1x1024xi32>
    %eq3A_131 = vector.broadcast %broadcast_in_dim3A_130 : vector<1x1024xi32> to vector<8x1024xi32>
    %eq3A_132 = arith.cmpi eq, %iota3A, %eq3A_131 : vector<8x1024xi32>
    %jit3A_133 = arith.constant -1.000000e+30 : f32
    %broadcast_in_dim3A_134 = vector.broadcast %jit3A_133 : f32 to vector<8x1024xf32>
    %select_n3A_135 = arith.select %eq3A_132, %broadcast_in_dim3A_134, %squeeze3A_119 : vector<8x1024xi1>, vector<8x1024xf32>
    %reduce_max3A_136 = arith.constant dense<0xFF800000> : vector<1024xf32>
    %reduce_max3A_137 = vector.multi_reduction <maximumf>, %select_n3A_135, %reduce_max3A_136 [0] : vector<8x1024xf32> to vector<1024xf32>
    %broadcast_in_dim3A_138 = vector.shape_cast %reduce_max3A_137 : vector<1024xf32> to vector<1x1024xf32>
    %add3A_139 = arith.addf %broadcast_in_dim3A_122, %broadcast_in_dim3A_138 : vector<1x1024xf32>
    %slice3A_140 = vector.extract_strided_slice %reshape3A_15 {offsets = [6, 0, 0], sizes = [1, 8, 1024], strides = [1, 1, 1]} : vector<8x8x1024xf32> to vector<1x8x1024xf32>
    %squeeze3A_141 = vector.shape_cast %slice3A_140 : vector<1x8x1024xf32> to vector<8x1024xf32>
    %reduce_max3A_142 = arith.constant dense<0xFF800000> : vector<1024xf32>
    %reduce_max3A_143 = vector.multi_reduction <maximumf>, %squeeze3A_141, %reduce_max3A_142 [0] : vector<8x1024xf32> to vector<1024xf32>
    %broadcast_in_dim3A_144 = vector.shape_cast %reduce_max3A_143 : vector<1024xf32> to vector<1x1024xf32>
    %eq3A_145 = vector.broadcast %broadcast_in_dim3A_144 : vector<1x1024xf32> to vector<8x1024xf32>
    %eq3A_146 = arith.cmpf oeq, %squeeze3A_141, %eq3A_145 : vector<8x1024xf32>
    %jit3A_147 = arith.constant 8 : i32
    %broadcast_in_dim3A_148 = vector.broadcast %jit3A_147 : i32 to vector<8x1024xi32>
    %select_n3A_149 = arith.select %eq3A_146, %iota3A, %broadcast_in_dim3A_148 : vector<8x1024xi1>, vector<8x1024xi32>
    %reduce_min3A_150 = arith.constant dense<2147483647> : vector<1024xi32>
    %reduce_min3A_151 = vector.multi_reduction <minsi>, %select_n3A_149, %reduce_min3A_150 [0] : vector<8x1024xi32> to vector<1024xi32>
    %broadcast_in_dim3A_152 = vector.shape_cast %reduce_min3A_151 : vector<1024xi32> to vector<1x1024xi32>
    %eq3A_153 = vector.broadcast %broadcast_in_dim3A_152 : vector<1x1024xi32> to vector<8x1024xi32>
    %eq3A_154 = arith.cmpi eq, %iota3A, %eq3A_153 : vector<8x1024xi32>
    %jit3A_155 = arith.constant -1.000000e+30 : f32
    %broadcast_in_dim3A_156 = vector.broadcast %jit3A_155 : f32 to vector<8x1024xf32>
    %select_n3A_157 = arith.select %eq3A_154, %broadcast_in_dim3A_156, %squeeze3A_141 : vector<8x1024xi1>, vector<8x1024xf32>
    %reduce_max3A_158 = arith.constant dense<0xFF800000> : vector<1024xf32>
    %reduce_max3A_159 = vector.multi_reduction <maximumf>, %select_n3A_157, %reduce_max3A_158 [0] : vector<8x1024xf32> to vector<1024xf32>
    %broadcast_in_dim3A_160 = vector.shape_cast %reduce_max3A_159 : vector<1024xf32> to vector<1x1024xf32>
    %add3A_161 = arith.addf %broadcast_in_dim3A_144, %broadcast_in_dim3A_160 : vector<1x1024xf32>
    %slice3A_162 = vector.extract_strided_slice %reshape3A_15 {offsets = [7, 0, 0], sizes = [1, 8, 1024], strides = [1, 1, 1]} : vector<8x8x1024xf32> to vector<1x8x1024xf32>
    %squeeze3A_163 = vector.shape_cast %slice3A_162 : vector<1x8x1024xf32> to vector<8x1024xf32>
    %reduce_max3A_164 = arith.constant dense<0xFF800000> : vector<1024xf32>
    %reduce_max3A_165 = vector.multi_reduction <maximumf>, %squeeze3A_163, %reduce_max3A_164 [0] : vector<8x1024xf32> to vector<1024xf32>
    %broadcast_in_dim3A_166 = vector.shape_cast %reduce_max3A_165 : vector<1024xf32> to vector<1x1024xf32>
    %eq3A_167 = vector.broadcast %broadcast_in_dim3A_166 : vector<1x1024xf32> to vector<8x1024xf32>
    %eq3A_168 = arith.cmpf oeq, %squeeze3A_163, %eq3A_167 : vector<8x1024xf32>
    %jit3A_169 = arith.constant 8 : i32
    %broadcast_in_dim3A_170 = vector.broadcast %jit3A_169 : i32 to vector<8x1024xi32>
    %select_n3A_171 = arith.select %eq3A_168, %iota3A, %broadcast_in_dim3A_170 : vector<8x1024xi1>, vector<8x1024xi32>
    %reduce_min3A_172 = arith.constant dense<2147483647> : vector<1024xi32>
    %reduce_min3A_173 = vector.multi_reduction <minsi>, %select_n3A_171, %reduce_min3A_172 [0] : vector<8x1024xi32> to vector<1024xi32>
    %broadcast_in_dim3A_174 = vector.shape_cast %reduce_min3A_173 : vector<1024xi32> to vector<1x1024xi32>
    %eq3A_175 = vector.broadcast %broadcast_in_dim3A_174 : vector<1x1024xi32> to vector<8x1024xi32>
    %eq3A_176 = arith.cmpi eq, %iota3A, %eq3A_175 : vector<8x1024xi32>
    %jit3A_177 = arith.constant -1.000000e+30 : f32
    %broadcast_in_dim3A_178 = vector.broadcast %jit3A_177 : f32 to vector<8x1024xf32>
    %select_n3A_179 = arith.select %eq3A_176, %broadcast_in_dim3A_178, %squeeze3A_163 : vector<8x1024xi1>, vector<8x1024xf32>
    %reduce_max3A_180 = arith.constant dense<0xFF800000> : vector<1024xf32>
    %reduce_max3A_181 = vector.multi_reduction <maximumf>, %select_n3A_179, %reduce_max3A_180 [0] : vector<8x1024xf32> to vector<1024xf32>
    %broadcast_in_dim3A_182 = vector.shape_cast %reduce_max3A_181 : vector<1024xf32> to vector<1x1024xf32>
    %add3A_183 = arith.addf %broadcast_in_dim3A_166, %broadcast_in_dim3A_182 : vector<1x1024xf32>
    %concatenate3A = tpu.concatenate %add3A_29, %add3A_51, %add3A_73, %add3A_95, %add3A_117, %add3A_139, %add3A_161, %add3A_183 in 0 : vector<1x1024xf32>, vector<1x1024xf32>, vector<1x1024xf32>, vector<1x1024xf32>, vector<1x1024xf32>, vector<1x1024xf32>, vector<1x1024xf32>, vector<1x1024xf32> -> vector<8x1024xf32>
    %iota3A_184 = tpu.iota {dimensions = array<i32: 0>} : vector<8x1024xi32>
    %broadcast_in_dim3A_185 = arith.constant false
    %broadcast_in_dim3A_186 = vector.broadcast %broadcast_in_dim3A_185 : i1 to vector<8x1024xi1>
    %reduce_max3A_187 = arith.constant dense<0xFF800000> : vector<1024xf32>
    %reduce_max3A_188 = vector.multi_reduction <maximumf>, %concatenate3A, %reduce_max3A_187 [0] : vector<8x1024xf32> to vector<1024xf32>
    %broadcast_in_dim3A_189 = vector.shape_cast %reduce_max3A_188 : vector<1024xf32> to vector<1x1024xf32>
    %eq3A_190 = vector.broadcast %broadcast_in_dim3A_189 : vector<1x1024xf32> to vector<8x1024xf32>
    %eq3A_191 = arith.cmpf oeq, %concatenate3A, %eq3A_190 : vector<8x1024xf32>
    %jit3A_192 = arith.constant 8 : i32
    %broadcast_in_dim3A_193 = vector.broadcast %jit3A_192 : i32 to vector<8x1024xi32>
    %select_n3A_194 = arith.select %eq3A_191, %iota3A_184, %broadcast_in_dim3A_193 : vector<8x1024xi1>, vector<8x1024xi32>
    %reduce_min3A_195 = arith.constant dense<2147483647> : vector<1024xi32>
    %reduce_min3A_196 = vector.multi_reduction <minsi>, %select_n3A_194, %reduce_min3A_195 [0] : vector<8x1024xi32> to vector<1024xi32>
    %broadcast_in_dim3A_197 = vector.shape_cast %reduce_min3A_196 : vector<1024xi32> to vector<1x1024xi32>
    %eq3A_198 = vector.broadcast %broadcast_in_dim3A_197 : vector<1x1024xi32> to vector<8x1024xi32>
    %eq3A_199 = arith.cmpi eq, %iota3A_184, %eq3A_198 : vector<8x1024xi32>
    %or3A = arith.ori %broadcast_in_dim3A_186, %eq3A_199 : vector<8x1024xi1>
    %eq3A_200 = vector.broadcast %broadcast_in_dim3A_197 : vector<1x1024xi32> to vector<8x1024xi32>
    %eq3A_201 = arith.cmpi eq, %iota3A_184, %eq3A_200 : vector<8x1024xi32>
    %jit3A_202 = arith.constant -1.000000e+30 : f32
    %broadcast_in_dim3A_203 = vector.broadcast %jit3A_202 : f32 to vector<8x1024xf32>
    %select_n3A_204 = arith.select %eq3A_201, %broadcast_in_dim3A_203, %concatenate3A : vector<8x1024xi1>, vector<8x1024xf32>
    %reduce_max3A_205 = arith.constant dense<0xFF800000> : vector<1024xf32>
    %reduce_max3A_206 = vector.multi_reduction <maximumf>, %select_n3A_204, %reduce_max3A_205 [0] : vector<8x1024xf32> to vector<1024xf32>
    %broadcast_in_dim3A_207 = vector.shape_cast %reduce_max3A_206 : vector<1024xf32> to vector<1x1024xf32>
    %eq3A_208 = vector.broadcast %broadcast_in_dim3A_207 : vector<1x1024xf32> to vector<8x1024xf32>
    %eq3A_209 = arith.cmpf oeq, %select_n3A_204, %eq3A_208 : vector<8x1024xf32>
    %jit3A_210 = arith.constant 8 : i32
    %broadcast_in_dim3A_211 = vector.broadcast %jit3A_210 : i32 to vector<8x1024xi32>
    %select_n3A_212 = arith.select %eq3A_209, %iota3A_184, %broadcast_in_dim3A_211 : vector<8x1024xi1>, vector<8x1024xi32>
    %reduce_min3A_213 = arith.constant dense<2147483647> : vector<1024xi32>
    %reduce_min3A_214 = vector.multi_reduction <minsi>, %select_n3A_212, %reduce_min3A_213 [0] : vector<8x1024xi32> to vector<1024xi32>
    %broadcast_in_dim3A_215 = vector.shape_cast %reduce_min3A_214 : vector<1024xi32> to vector<1x1024xi32>
    %eq3A_216 = vector.broadcast %broadcast_in_dim3A_215 : vector<1x1024xi32> to vector<8x1024xi32>
    %eq3A_217 = arith.cmpi eq, %iota3A_184, %eq3A_216 : vector<8x1024xi32>
    %or3A_218 = arith.ori %or3A, %eq3A_217 : vector<8x1024xi1>
    %eq3A_219 = vector.broadcast %broadcast_in_dim3A_215 : vector<1x1024xi32> to vector<8x1024xi32>
    %eq3A_220 = arith.cmpi eq, %iota3A_184, %eq3A_219 : vector<8x1024xi32>
    %jit3A_221 = arith.constant -1.000000e+30 : f32
    %broadcast_in_dim3A_222 = vector.broadcast %jit3A_221 : f32 to vector<8x1024xf32>
    %select_n3A_223 = arith.select %eq3A_220, %broadcast_in_dim3A_222, %select_n3A_204 : vector<8x1024xi1>, vector<8x1024xf32>
    %reduce_max3A_224 = arith.constant dense<0xFF800000> : vector<1024xf32>
    %reduce_max3A_225 = vector.multi_reduction <maximumf>, %select_n3A_223, %reduce_max3A_224 [0] : vector<8x1024xf32> to vector<1024xf32>
    %broadcast_in_dim3A_226 = vector.shape_cast %reduce_max3A_225 : vector<1024xf32> to vector<1x1024xf32>
    %eq3A_227 = vector.broadcast %broadcast_in_dim3A_226 : vector<1x1024xf32> to vector<8x1024xf32>
    %eq3A_228 = arith.cmpf oeq, %select_n3A_223, %eq3A_227 : vector<8x1024xf32>
    %jit3A_229 = arith.constant 8 : i32
    %broadcast_in_dim3A_230 = vector.broadcast %jit3A_229 : i32 to vector<8x1024xi32>
    %select_n3A_231 = arith.select %eq3A_228, %iota3A_184, %broadcast_in_dim3A_230 : vector<8x1024xi1>, vector<8x1024xi32>
    %reduce_min3A_232 = arith.constant dense<2147483647> : vector<1024xi32>
    %reduce_min3A_233 = vector.multi_reduction <minsi>, %select_n3A_231, %reduce_min3A_232 [0] : vector<8x1024xi32> to vector<1024xi32>
    %broadcast_in_dim3A_234 = vector.shape_cast %reduce_min3A_233 : vector<1024xi32> to vector<1x1024xi32>
    %eq3A_235 = vector.broadcast %broadcast_in_dim3A_234 : vector<1x1024xi32> to vector<8x1024xi32>
    %eq3A_236 = arith.cmpi eq, %iota3A_184, %eq3A_235 : vector<8x1024xi32>
    %or3A_237 = arith.ori %or3A_218, %eq3A_236 : vector<8x1024xi1>
    %eq3A_238 = vector.broadcast %broadcast_in_dim3A_234 : vector<1x1024xi32> to vector<8x1024xi32>
    %eq3A_239 = arith.cmpi eq, %iota3A_184, %eq3A_238 : vector<8x1024xi32>
    %jit3A_240 = arith.constant -1.000000e+30 : f32
    %broadcast_in_dim3A_241 = vector.broadcast %jit3A_240 : f32 to vector<8x1024xf32>
    %select_n3A_242 = arith.select %eq3A_239, %broadcast_in_dim3A_241, %select_n3A_223 : vector<8x1024xi1>, vector<8x1024xf32>
    %reduce_max3A_243 = arith.constant dense<0xFF800000> : vector<1024xf32>
    %reduce_max3A_244 = vector.multi_reduction <maximumf>, %select_n3A_242, %reduce_max3A_243 [0] : vector<8x1024xf32> to vector<1024xf32>
    %broadcast_in_dim3A_245 = vector.shape_cast %reduce_max3A_244 : vector<1024xf32> to vector<1x1024xf32>
    %eq3A_246 = vector.broadcast %broadcast_in_dim3A_245 : vector<1x1024xf32> to vector<8x1024xf32>
    %eq3A_247 = arith.cmpf oeq, %select_n3A_242, %eq3A_246 : vector<8x1024xf32>
    %jit3A_248 = arith.constant 8 : i32
    %broadcast_in_dim3A_249 = vector.broadcast %jit3A_248 : i32 to vector<8x1024xi32>
    %select_n3A_250 = arith.select %eq3A_247, %iota3A_184, %broadcast_in_dim3A_249 : vector<8x1024xi1>, vector<8x1024xi32>
    %reduce_min3A_251 = arith.constant dense<2147483647> : vector<1024xi32>
    %reduce_min3A_252 = vector.multi_reduction <minsi>, %select_n3A_250, %reduce_min3A_251 [0] : vector<8x1024xi32> to vector<1024xi32>
    %broadcast_in_dim3A_253 = vector.shape_cast %reduce_min3A_252 : vector<1024xi32> to vector<1x1024xi32>
    %eq3A_254 = vector.broadcast %broadcast_in_dim3A_253 : vector<1x1024xi32> to vector<8x1024xi32>
    %eq3A_255 = arith.cmpi eq, %iota3A_184, %eq3A_254 : vector<8x1024xi32>
    %or3A_256 = arith.ori %or3A_237, %eq3A_255 : vector<8x1024xi1>
    %iota3A_257 = tpu.iota {dimensions = array<i32: 0>} : vector<8x8x1024xi32>
    %mul3A = arith.constant 8 : i32
    %mul3A_258 = vector.broadcast %mul3A : i32 to vector<8x8x1024xi32>
    %mul3A_259 = arith.muli %iota3A_257, %mul3A_258 : vector<8x8x1024xi32>
    %iota3A_260 = tpu.iota {dimensions = array<i32: 1>} : vector<8x8x1024xi32>
    %add3A_261 = arith.addi %mul3A_259, %iota3A_260 : vector<8x8x1024xi32>
    %reshape3A_262 = vector.shape_cast %or3A_256 : vector<8x1024xi1> to vector<8x1x1024xi1>
    %jit3A_263 = arith.constant 0.000000e+00 : f32
    %broadcast_in_dim3A_264 = vector.shape_cast %reshape3A_262 : vector<8x1x1024xi1> to vector<8x1x1024xi1>
    %broadcast_in_dim3A_265 = vector.broadcast %broadcast_in_dim3A_264 : vector<8x1x1024xi1> to vector<8x8x1024xi1>
    %broadcast_in_dim3A_266 = vector.broadcast %jit3A_263 : f32 to vector<8x8x1024xf32>
    %select_n3A_267 = arith.select %broadcast_in_dim3A_265, %reshape3A_15, %broadcast_in_dim3A_266 : vector<8x8x1024xi1>, vector<8x8x1024xf32>
    %reduce_max3A_268 = arith.constant dense<0xFF800000> : vector<8x1024xf32>
    %reduce_max3A_269 = vector.multi_reduction <maximumf>, %select_n3A_267, %reduce_max3A_268 [1] : vector<8x8x1024xf32> to vector<8x1024xf32>
    %reduce_max3A_270 = arith.constant dense<0xFF800000> : vector<1024xf32>
    %reduce_max3A_271 = vector.multi_reduction <maximumf>, %reduce_max3A_269, %reduce_max3A_270 [0] : vector<8x1024xf32> to vector<1024xf32>
    %broadcast_in_dim3A_272 = vector.shape_cast %reduce_max3A_271 : vector<1024xf32> to vector<1x1024xf32>
    %reshape3A_273 = vector.shape_cast %broadcast_in_dim3A_272 : vector<1x1024xf32> to vector<1x1x1024xf32>
    %eq3A_274 = vector.broadcast %reshape3A_273 : vector<1x1x1024xf32> to vector<8x8x1024xf32>
    %eq3A_275 = arith.cmpf oeq, %select_n3A_267, %eq3A_274 : vector<8x8x1024xf32>
    %jit3A_276 = arith.constant 64 : i32
    %broadcast_in_dim3A_277 = vector.broadcast %jit3A_276 : i32 to vector<8x8x1024xi32>
    %select_n3A_278 = arith.select %eq3A_275, %add3A_261, %broadcast_in_dim3A_277 : vector<8x8x1024xi1>, vector<8x8x1024xi32>
    %reduce_min3A_279 = arith.constant dense<2147483647> : vector<8x1024xi32>
    %reduce_min3A_280 = vector.multi_reduction <minsi>, %select_n3A_278, %reduce_min3A_279 [1] : vector<8x8x1024xi32> to vector<8x1024xi32>
    %reduce_min3A_281 = arith.constant dense<2147483647> : vector<1024xi32>
    %reduce_min3A_282 = vector.multi_reduction <minsi>, %reduce_min3A_280, %reduce_min3A_281 [0] : vector<8x1024xi32> to vector<1024xi32>
    %broadcast_in_dim3A_283 = vector.shape_cast %reduce_min3A_282 : vector<1024xi32> to vector<1x1024xi32>
    %reshape3A_284 = vector.shape_cast %broadcast_in_dim3A_283 : vector<1x1024xi32> to vector<1x1x1024xi32>
    %eq3A_285 = vector.broadcast %reshape3A_284 : vector<1x1x1024xi32> to vector<8x8x1024xi32>
    %eq3A_286 = arith.cmpi eq, %add3A_261, %eq3A_285 : vector<8x8x1024xi32>
    %jit3A_287 = arith.constant -1.000000e+30 : f32
    %broadcast_in_dim3A_288 = vector.broadcast %jit3A_287 : f32 to vector<8x8x1024xf32>
    %select_n3A_289 = arith.select %eq3A_286, %reshape3A, %broadcast_in_dim3A_288 : vector<8x8x1024xi1>, vector<8x8x1024xf32>
    %reduce_max3A_290 = arith.constant dense<0xFF800000> : vector<8x1024xf32>
    %reduce_max3A_291 = vector.multi_reduction <maximumf>, %select_n3A_289, %reduce_max3A_290 [1] : vector<8x8x1024xf32> to vector<8x1024xf32>
    %reduce_max3A_292 = arith.constant dense<0xFF800000> : vector<1024xf32>
    %reduce_max3A_293 = vector.multi_reduction <maximumf>, %reduce_max3A_291, %reduce_max3A_292 [0] : vector<8x1024xf32> to vector<1024xf32>
    %broadcast_in_dim3A_294 = vector.shape_cast %reduce_max3A_293 : vector<1024xf32> to vector<1x1024xf32>
    %jit3A_295 = arith.constant -1.000000e+30 : f32
    %broadcast_in_dim3A_296 = vector.broadcast %jit3A_295 : f32 to vector<8x8x1024xf32>
    %select_n3A_297 = arith.select %eq3A_286, %broadcast_in_dim3A_296, %select_n3A_267 : vector<8x8x1024xi1>, vector<8x8x1024xf32>
    %reduce_max3A_298 = arith.constant dense<0xFF800000> : vector<8x1024xf32>
    %reduce_max3A_299 = vector.multi_reduction <maximumf>, %select_n3A_297, %reduce_max3A_298 [1] : vector<8x8x1024xf32> to vector<8x1024xf32>
    %reduce_max3A_300 = arith.constant dense<0xFF800000> : vector<1024xf32>
    %reduce_max3A_301 = vector.multi_reduction <maximumf>, %reduce_max3A_299, %reduce_max3A_300 [0] : vector<8x1024xf32> to vector<1024xf32>
    %broadcast_in_dim3A_302 = vector.shape_cast %reduce_max3A_301 : vector<1024xf32> to vector<1x1024xf32>
    %reshape3A_303 = vector.shape_cast %broadcast_in_dim3A_302 : vector<1x1024xf32> to vector<1x1x1024xf32>
    %eq3A_304 = vector.broadcast %reshape3A_303 : vector<1x1x1024xf32> to vector<8x8x1024xf32>
    %eq3A_305 = arith.cmpf oeq, %select_n3A_297, %eq3A_304 : vector<8x8x1024xf32>
    %jit3A_306 = arith.constant 64 : i32
    %broadcast_in_dim3A_307 = vector.broadcast %jit3A_306 : i32 to vector<8x8x1024xi32>
    %select_n3A_308 = arith.select %eq3A_305, %add3A_261, %broadcast_in_dim3A_307 : vector<8x8x1024xi1>, vector<8x8x1024xi32>
    %reduce_min3A_309 = arith.constant dense<2147483647> : vector<8x1024xi32>
    %reduce_min3A_310 = vector.multi_reduction <minsi>, %select_n3A_308, %reduce_min3A_309 [1] : vector<8x8x1024xi32> to vector<8x1024xi32>
    %reduce_min3A_311 = arith.constant dense<2147483647> : vector<1024xi32>
    %reduce_min3A_312 = vector.multi_reduction <minsi>, %reduce_min3A_310, %reduce_min3A_311 [0] : vector<8x1024xi32> to vector<1024xi32>
    %broadcast_in_dim3A_313 = vector.shape_cast %reduce_min3A_312 : vector<1024xi32> to vector<1x1024xi32>
    %reshape3A_314 = vector.shape_cast %broadcast_in_dim3A_313 : vector<1x1024xi32> to vector<1x1x1024xi32>
    %eq3A_315 = vector.broadcast %reshape3A_314 : vector<1x1x1024xi32> to vector<8x8x1024xi32>
    %eq3A_316 = arith.cmpi eq, %add3A_261, %eq3A_315 : vector<8x8x1024xi32>
    %jit3A_317 = arith.constant -1.000000e+30 : f32
    %broadcast_in_dim3A_318 = vector.broadcast %jit3A_317 : f32 to vector<8x8x1024xf32>
    %select_n3A_319 = arith.select %eq3A_316, %reshape3A, %broadcast_in_dim3A_318 : vector<8x8x1024xi1>, vector<8x8x1024xf32>
    %reduce_max3A_320 = arith.constant dense<0xFF800000> : vector<8x1024xf32>
    %reduce_max3A_321 = vector.multi_reduction <maximumf>, %select_n3A_319, %reduce_max3A_320 [1] : vector<8x8x1024xf32> to vector<8x1024xf32>
    %reduce_max3A_322 = arith.constant dense<0xFF800000> : vector<1024xf32>
    %reduce_max3A_323 = vector.multi_reduction <maximumf>, %reduce_max3A_321, %reduce_max3A_322 [0] : vector<8x1024xf32> to vector<1024xf32>
    %broadcast_in_dim3A_324 = vector.shape_cast %reduce_max3A_323 : vector<1024xf32> to vector<1x1024xf32>
    %jit3A_325 = arith.constant -1.000000e+30 : f32
    %broadcast_in_dim3A_326 = vector.broadcast %jit3A_325 : f32 to vector<8x8x1024xf32>
    %select_n3A_327 = arith.select %eq3A_316, %broadcast_in_dim3A_326, %select_n3A_297 : vector<8x8x1024xi1>, vector<8x8x1024xf32>
    %reduce_max3A_328 = arith.constant dense<0xFF800000> : vector<8x1024xf32>
    %reduce_max3A_329 = vector.multi_reduction <maximumf>, %select_n3A_327, %reduce_max3A_328 [1] : vector<8x8x1024xf32> to vector<8x1024xf32>
    %reduce_max3A_330 = arith.constant dense<0xFF800000> : vector<1024xf32>
    %reduce_max3A_331 = vector.multi_reduction <maximumf>, %reduce_max3A_329, %reduce_max3A_330 [0] : vector<8x1024xf32> to vector<1024xf32>
    %broadcast_in_dim3A_332 = vector.shape_cast %reduce_max3A_331 : vector<1024xf32> to vector<1x1024xf32>
    %reshape3A_333 = vector.shape_cast %broadcast_in_dim3A_332 : vector<1x1024xf32> to vector<1x1x1024xf32>
    %eq3A_334 = vector.broadcast %reshape3A_333 : vector<1x1x1024xf32> to vector<8x8x1024xf32>
    %eq3A_335 = arith.cmpf oeq, %select_n3A_327, %eq3A_334 : vector<8x8x1024xf32>
    %jit3A_336 = arith.constant 64 : i32
    %broadcast_in_dim3A_337 = vector.broadcast %jit3A_336 : i32 to vector<8x8x1024xi32>
    %select_n3A_338 = arith.select %eq3A_335, %add3A_261, %broadcast_in_dim3A_337 : vector<8x8x1024xi1>, vector<8x8x1024xi32>
    %reduce_min3A_339 = arith.constant dense<2147483647> : vector<8x1024xi32>
    %reduce_min3A_340 = vector.multi_reduction <minsi>, %select_n3A_338, %reduce_min3A_339 [1] : vector<8x8x1024xi32> to vector<8x1024xi32>
    %reduce_min3A_341 = arith.constant dense<2147483647> : vector<1024xi32>
    %reduce_min3A_342 = vector.multi_reduction <minsi>, %reduce_min3A_340, %reduce_min3A_341 [0] : vector<8x1024xi32> to vector<1024xi32>
    %broadcast_in_dim3A_343 = vector.shape_cast %reduce_min3A_342 : vector<1024xi32> to vector<1x1024xi32>
    %reshape3A_344 = vector.shape_cast %broadcast_in_dim3A_343 : vector<1x1024xi32> to vector<1x1x1024xi32>
    %eq3A_345 = vector.broadcast %reshape3A_344 : vector<1x1x1024xi32> to vector<8x8x1024xi32>
    %eq3A_346 = arith.cmpi eq, %add3A_261, %eq3A_345 : vector<8x8x1024xi32>
    %jit3A_347 = arith.constant -1.000000e+30 : f32
    %broadcast_in_dim3A_348 = vector.broadcast %jit3A_347 : f32 to vector<8x8x1024xf32>
    %select_n3A_349 = arith.select %eq3A_346, %reshape3A, %broadcast_in_dim3A_348 : vector<8x8x1024xi1>, vector<8x8x1024xf32>
    %reduce_max3A_350 = arith.constant dense<0xFF800000> : vector<8x1024xf32>
    %reduce_max3A_351 = vector.multi_reduction <maximumf>, %select_n3A_349, %reduce_max3A_350 [1] : vector<8x8x1024xf32> to vector<8x1024xf32>
    %reduce_max3A_352 = arith.constant dense<0xFF800000> : vector<1024xf32>
    %reduce_max3A_353 = vector.multi_reduction <maximumf>, %reduce_max3A_351, %reduce_max3A_352 [0] : vector<8x1024xf32> to vector<1024xf32>
    %broadcast_in_dim3A_354 = vector.shape_cast %reduce_max3A_353 : vector<1024xf32> to vector<1x1024xf32>
    %jit3A_355 = arith.constant -1.000000e+30 : f32
    %broadcast_in_dim3A_356 = vector.broadcast %jit3A_355 : f32 to vector<8x8x1024xf32>
    %select_n3A_357 = arith.select %eq3A_346, %broadcast_in_dim3A_356, %select_n3A_327 : vector<8x8x1024xi1>, vector<8x8x1024xf32>
    %reduce_max3A_358 = arith.constant dense<0xFF800000> : vector<8x1024xf32>
    %reduce_max3A_359 = vector.multi_reduction <maximumf>, %select_n3A_357, %reduce_max3A_358 [1] : vector<8x8x1024xf32> to vector<8x1024xf32>
    %reduce_max3A_360 = arith.constant dense<0xFF800000> : vector<1024xf32>
    %reduce_max3A_361 = vector.multi_reduction <maximumf>, %reduce_max3A_359, %reduce_max3A_360 [0] : vector<8x1024xf32> to vector<1024xf32>
    %broadcast_in_dim3A_362 = vector.shape_cast %reduce_max3A_361 : vector<1024xf32> to vector<1x1024xf32>
    %reshape3A_363 = vector.shape_cast %broadcast_in_dim3A_362 : vector<1x1024xf32> to vector<1x1x1024xf32>
    %eq3A_364 = vector.broadcast %reshape3A_363 : vector<1x1x1024xf32> to vector<8x8x1024xf32>
    %eq3A_365 = arith.cmpf oeq, %select_n3A_357, %eq3A_364 : vector<8x8x1024xf32>
    %jit3A_366 = arith.constant 64 : i32
    %broadcast_in_dim3A_367 = vector.broadcast %jit3A_366 : i32 to vector<8x8x1024xi32>
    %select_n3A_368 = arith.select %eq3A_365, %add3A_261, %broadcast_in_dim3A_367 : vector<8x8x1024xi1>, vector<8x8x1024xi32>
    %reduce_min3A_369 = arith.constant dense<2147483647> : vector<8x1024xi32>
    %reduce_min3A_370 = vector.multi_reduction <minsi>, %select_n3A_368, %reduce_min3A_369 [1] : vector<8x8x1024xi32> to vector<8x1024xi32>
    %reduce_min3A_371 = arith.constant dense<2147483647> : vector<1024xi32>
    %reduce_min3A_372 = vector.multi_reduction <minsi>, %reduce_min3A_370, %reduce_min3A_371 [0] : vector<8x1024xi32> to vector<1024xi32>
    %broadcast_in_dim3A_373 = vector.shape_cast %reduce_min3A_372 : vector<1024xi32> to vector<1x1024xi32>
    %reshape3A_374 = vector.shape_cast %broadcast_in_dim3A_373 : vector<1x1024xi32> to vector<1x1x1024xi32>
    %eq3A_375 = vector.broadcast %reshape3A_374 : vector<1x1x1024xi32> to vector<8x8x1024xi32>
    %eq3A_376 = arith.cmpi eq, %add3A_261, %eq3A_375 : vector<8x8x1024xi32>
    %jit3A_377 = arith.constant -1.000000e+30 : f32
    %broadcast_in_dim3A_378 = vector.broadcast %jit3A_377 : f32 to vector<8x8x1024xf32>
    %select_n3A_379 = arith.select %eq3A_376, %reshape3A, %broadcast_in_dim3A_378 : vector<8x8x1024xi1>, vector<8x8x1024xf32>
    %reduce_max3A_380 = arith.constant dense<0xFF800000> : vector<8x1024xf32>
    %reduce_max3A_381 = vector.multi_reduction <maximumf>, %select_n3A_379, %reduce_max3A_380 [1] : vector<8x8x1024xf32> to vector<8x1024xf32>
    %reduce_max3A_382 = arith.constant dense<0xFF800000> : vector<1024xf32>
    %reduce_max3A_383 = vector.multi_reduction <maximumf>, %reduce_max3A_381, %reduce_max3A_382 [0] : vector<8x1024xf32> to vector<1024xf32>
    %broadcast_in_dim3A_384 = vector.shape_cast %reduce_max3A_383 : vector<1024xf32> to vector<1x1024xf32>
    %jit3A_385 = arith.constant -1.000000e+30 : f32
    %broadcast_in_dim3A_386 = vector.broadcast %jit3A_385 : f32 to vector<8x8x1024xf32>
    %select_n3A_387 = arith.select %eq3A_376, %broadcast_in_dim3A_386, %select_n3A_357 : vector<8x8x1024xi1>, vector<8x8x1024xf32>
    %reduce_max3A_388 = arith.constant dense<0xFF800000> : vector<8x1024xf32>
    %reduce_max3A_389 = vector.multi_reduction <maximumf>, %select_n3A_387, %reduce_max3A_388 [1] : vector<8x8x1024xf32> to vector<8x1024xf32>
    %reduce_max3A_390 = arith.constant dense<0xFF800000> : vector<1024xf32>
    %reduce_max3A_391 = vector.multi_reduction <maximumf>, %reduce_max3A_389, %reduce_max3A_390 [0] : vector<8x1024xf32> to vector<1024xf32>
    %broadcast_in_dim3A_392 = vector.shape_cast %reduce_max3A_391 : vector<1024xf32> to vector<1x1024xf32>
    %reshape3A_393 = vector.shape_cast %broadcast_in_dim3A_392 : vector<1x1024xf32> to vector<1x1x1024xf32>
    %eq3A_394 = vector.broadcast %reshape3A_393 : vector<1x1x1024xf32> to vector<8x8x1024xf32>
    %eq3A_395 = arith.cmpf oeq, %select_n3A_387, %eq3A_394 : vector<8x8x1024xf32>
    %jit3A_396 = arith.constant 64 : i32
    %broadcast_in_dim3A_397 = vector.broadcast %jit3A_396 : i32 to vector<8x8x1024xi32>
    %select_n3A_398 = arith.select %eq3A_395, %add3A_261, %broadcast_in_dim3A_397 : vector<8x8x1024xi1>, vector<8x8x1024xi32>
    %reduce_min3A_399 = arith.constant dense<2147483647> : vector<8x1024xi32>
    %reduce_min3A_400 = vector.multi_reduction <minsi>, %select_n3A_398, %reduce_min3A_399 [1] : vector<8x8x1024xi32> to vector<8x1024xi32>
    %reduce_min3A_401 = arith.constant dense<2147483647> : vector<1024xi32>
    %reduce_min3A_402 = vector.multi_reduction <minsi>, %reduce_min3A_400, %reduce_min3A_401 [0] : vector<8x1024xi32> to vector<1024xi32>
    %broadcast_in_dim3A_403 = vector.shape_cast %reduce_min3A_402 : vector<1024xi32> to vector<1x1024xi32>
    %reshape3A_404 = vector.shape_cast %broadcast_in_dim3A_403 : vector<1x1024xi32> to vector<1x1x1024xi32>
    %eq3A_405 = vector.broadcast %reshape3A_404 : vector<1x1x1024xi32> to vector<8x8x1024xi32>
    %eq3A_406 = arith.cmpi eq, %add3A_261, %eq3A_405 : vector<8x8x1024xi32>
    %jit3A_407 = arith.constant -1.000000e+30 : f32
    %broadcast_in_dim3A_408 = vector.broadcast %jit3A_407 : f32 to vector<8x8x1024xf32>
    %select_n3A_409 = arith.select %eq3A_406, %reshape3A, %broadcast_in_dim3A_408 : vector<8x8x1024xi1>, vector<8x8x1024xf32>
    %reduce_max3A_410 = arith.constant dense<0xFF800000> : vector<8x1024xf32>
    %reduce_max3A_411 = vector.multi_reduction <maximumf>, %select_n3A_409, %reduce_max3A_410 [1] : vector<8x8x1024xf32> to vector<8x1024xf32>
    %reduce_max3A_412 = arith.constant dense<0xFF800000> : vector<1024xf32>
    %reduce_max3A_413 = vector.multi_reduction <maximumf>, %reduce_max3A_411, %reduce_max3A_412 [0] : vector<8x1024xf32> to vector<1024xf32>
    %broadcast_in_dim3A_414 = vector.shape_cast %reduce_max3A_413 : vector<1024xf32> to vector<1x1024xf32>
    %jit3A_415 = arith.constant -1.000000e+30 : f32
    %broadcast_in_dim3A_416 = vector.broadcast %jit3A_415 : f32 to vector<8x8x1024xf32>
    %select_n3A_417 = arith.select %eq3A_406, %broadcast_in_dim3A_416, %select_n3A_387 : vector<8x8x1024xi1>, vector<8x8x1024xf32>
    %reduce_max3A_418 = arith.constant dense<0xFF800000> : vector<8x1024xf32>
    %reduce_max3A_419 = vector.multi_reduction <maximumf>, %select_n3A_417, %reduce_max3A_418 [1] : vector<8x8x1024xf32> to vector<8x1024xf32>
    %reduce_max3A_420 = arith.constant dense<0xFF800000> : vector<1024xf32>
    %reduce_max3A_421 = vector.multi_reduction <maximumf>, %reduce_max3A_419, %reduce_max3A_420 [0] : vector<8x1024xf32> to vector<1024xf32>
    %broadcast_in_dim3A_422 = vector.shape_cast %reduce_max3A_421 : vector<1024xf32> to vector<1x1024xf32>
    %reshape3A_423 = vector.shape_cast %broadcast_in_dim3A_422 : vector<1x1024xf32> to vector<1x1x1024xf32>
    %eq3A_424 = vector.broadcast %reshape3A_423 : vector<1x1x1024xf32> to vector<8x8x1024xf32>
    %eq3A_425 = arith.cmpf oeq, %select_n3A_417, %eq3A_424 : vector<8x8x1024xf32>
    %jit3A_426 = arith.constant 64 : i32
    %broadcast_in_dim3A_427 = vector.broadcast %jit3A_426 : i32 to vector<8x8x1024xi32>
    %select_n3A_428 = arith.select %eq3A_425, %add3A_261, %broadcast_in_dim3A_427 : vector<8x8x1024xi1>, vector<8x8x1024xi32>
    %reduce_min3A_429 = arith.constant dense<2147483647> : vector<8x1024xi32>
    %reduce_min3A_430 = vector.multi_reduction <minsi>, %select_n3A_428, %reduce_min3A_429 [1] : vector<8x8x1024xi32> to vector<8x1024xi32>
    %reduce_min3A_431 = arith.constant dense<2147483647> : vector<1024xi32>
    %reduce_min3A_432 = vector.multi_reduction <minsi>, %reduce_min3A_430, %reduce_min3A_431 [0] : vector<8x1024xi32> to vector<1024xi32>
    %broadcast_in_dim3A_433 = vector.shape_cast %reduce_min3A_432 : vector<1024xi32> to vector<1x1024xi32>
    %reshape3A_434 = vector.shape_cast %broadcast_in_dim3A_433 : vector<1x1024xi32> to vector<1x1x1024xi32>
    %eq3A_435 = vector.broadcast %reshape3A_434 : vector<1x1x1024xi32> to vector<8x8x1024xi32>
    %eq3A_436 = arith.cmpi eq, %add3A_261, %eq3A_435 : vector<8x8x1024xi32>
    %jit3A_437 = arith.constant -1.000000e+30 : f32
    %broadcast_in_dim3A_438 = vector.broadcast %jit3A_437 : f32 to vector<8x8x1024xf32>
    %select_n3A_439 = arith.select %eq3A_436, %reshape3A, %broadcast_in_dim3A_438 : vector<8x8x1024xi1>, vector<8x8x1024xf32>
    %reduce_max3A_440 = arith.constant dense<0xFF800000> : vector<8x1024xf32>
    %reduce_max3A_441 = vector.multi_reduction <maximumf>, %select_n3A_439, %reduce_max3A_440 [1] : vector<8x8x1024xf32> to vector<8x1024xf32>
    %reduce_max3A_442 = arith.constant dense<0xFF800000> : vector<1024xf32>
    %reduce_max3A_443 = vector.multi_reduction <maximumf>, %reduce_max3A_441, %reduce_max3A_442 [0] : vector<8x1024xf32> to vector<1024xf32>
    %broadcast_in_dim3A_444 = vector.shape_cast %reduce_max3A_443 : vector<1024xf32> to vector<1x1024xf32>
    %jit3A_445 = arith.constant -1.000000e+30 : f32
    %broadcast_in_dim3A_446 = vector.broadcast %jit3A_445 : f32 to vector<8x8x1024xf32>
    %select_n3A_447 = arith.select %eq3A_436, %broadcast_in_dim3A_446, %select_n3A_417 : vector<8x8x1024xi1>, vector<8x8x1024xf32>
    %reduce_max3A_448 = arith.constant dense<0xFF800000> : vector<8x1024xf32>
    %reduce_max3A_449 = vector.multi_reduction <maximumf>, %select_n3A_447, %reduce_max3A_448 [1] : vector<8x8x1024xf32> to vector<8x1024xf32>
    %reduce_max3A_450 = arith.constant dense<0xFF800000> : vector<1024xf32>
    %reduce_max3A_451 = vector.multi_reduction <maximumf>, %reduce_max3A_449, %reduce_max3A_450 [0] : vector<8x1024xf32> to vector<1024xf32>
    %broadcast_in_dim3A_452 = vector.shape_cast %reduce_max3A_451 : vector<1024xf32> to vector<1x1024xf32>
    %reshape3A_453 = vector.shape_cast %broadcast_in_dim3A_452 : vector<1x1024xf32> to vector<1x1x1024xf32>
    %eq3A_454 = vector.broadcast %reshape3A_453 : vector<1x1x1024xf32> to vector<8x8x1024xf32>
    %eq3A_455 = arith.cmpf oeq, %select_n3A_447, %eq3A_454 : vector<8x8x1024xf32>
    %jit3A_456 = arith.constant 64 : i32
    %broadcast_in_dim3A_457 = vector.broadcast %jit3A_456 : i32 to vector<8x8x1024xi32>
    %select_n3A_458 = arith.select %eq3A_455, %add3A_261, %broadcast_in_dim3A_457 : vector<8x8x1024xi1>, vector<8x8x1024xi32>
    %reduce_min3A_459 = arith.constant dense<2147483647> : vector<8x1024xi32>
    %reduce_min3A_460 = vector.multi_reduction <minsi>, %select_n3A_458, %reduce_min3A_459 [1] : vector<8x8x1024xi32> to vector<8x1024xi32>
    %reduce_min3A_461 = arith.constant dense<2147483647> : vector<1024xi32>
    %reduce_min3A_462 = vector.multi_reduction <minsi>, %reduce_min3A_460, %reduce_min3A_461 [0] : vector<8x1024xi32> to vector<1024xi32>
    %broadcast_in_dim3A_463 = vector.shape_cast %reduce_min3A_462 : vector<1024xi32> to vector<1x1024xi32>
    %reshape3A_464 = vector.shape_cast %broadcast_in_dim3A_463 : vector<1x1024xi32> to vector<1x1x1024xi32>
    %eq3A_465 = vector.broadcast %reshape3A_464 : vector<1x1x1024xi32> to vector<8x8x1024xi32>
    %eq3A_466 = arith.cmpi eq, %add3A_261, %eq3A_465 : vector<8x8x1024xi32>
    %jit3A_467 = arith.constant -1.000000e+30 : f32
    %broadcast_in_dim3A_468 = vector.broadcast %jit3A_467 : f32 to vector<8x8x1024xf32>
    %select_n3A_469 = arith.select %eq3A_466, %reshape3A, %broadcast_in_dim3A_468 : vector<8x8x1024xi1>, vector<8x8x1024xf32>
    %reduce_max3A_470 = arith.constant dense<0xFF800000> : vector<8x1024xf32>
    %reduce_max3A_471 = vector.multi_reduction <maximumf>, %select_n3A_469, %reduce_max3A_470 [1] : vector<8x8x1024xf32> to vector<8x1024xf32>
    %reduce_max3A_472 = arith.constant dense<0xFF800000> : vector<1024xf32>
    %reduce_max3A_473 = vector.multi_reduction <maximumf>, %reduce_max3A_471, %reduce_max3A_472 [0] : vector<8x1024xf32> to vector<1024xf32>
    %broadcast_in_dim3A_474 = vector.shape_cast %reduce_max3A_473 : vector<1024xf32> to vector<1x1024xf32>
    %jit3A_475 = arith.constant -1.000000e+30 : f32
    %broadcast_in_dim3A_476 = vector.broadcast %jit3A_475 : f32 to vector<8x8x1024xf32>
    %select_n3A_477 = arith.select %eq3A_466, %broadcast_in_dim3A_476, %select_n3A_447 : vector<8x8x1024xi1>, vector<8x8x1024xf32>
    %reduce_max3A_478 = arith.constant dense<0xFF800000> : vector<8x1024xf32>
    %reduce_max3A_479 = vector.multi_reduction <maximumf>, %select_n3A_477, %reduce_max3A_478 [1] : vector<8x8x1024xf32> to vector<8x1024xf32>
    %reduce_max3A_480 = arith.constant dense<0xFF800000> : vector<1024xf32>
    %reduce_max3A_481 = vector.multi_reduction <maximumf>, %reduce_max3A_479, %reduce_max3A_480 [0] : vector<8x1024xf32> to vector<1024xf32>
    %broadcast_in_dim3A_482 = vector.shape_cast %reduce_max3A_481 : vector<1024xf32> to vector<1x1024xf32>
    %reshape3A_483 = vector.shape_cast %broadcast_in_dim3A_482 : vector<1x1024xf32> to vector<1x1x1024xf32>
    %eq3A_484 = vector.broadcast %reshape3A_483 : vector<1x1x1024xf32> to vector<8x8x1024xf32>
    %eq3A_485 = arith.cmpf oeq, %select_n3A_477, %eq3A_484 : vector<8x8x1024xf32>
    %jit3A_486 = arith.constant 64 : i32
    %broadcast_in_dim3A_487 = vector.broadcast %jit3A_486 : i32 to vector<8x8x1024xi32>
    %select_n3A_488 = arith.select %eq3A_485, %add3A_261, %broadcast_in_dim3A_487 : vector<8x8x1024xi1>, vector<8x8x1024xi32>
    %reduce_min3A_489 = arith.constant dense<2147483647> : vector<8x1024xi32>
    %reduce_min3A_490 = vector.multi_reduction <minsi>, %select_n3A_488, %reduce_min3A_489 [1] : vector<8x8x1024xi32> to vector<8x1024xi32>
    %reduce_min3A_491 = arith.constant dense<2147483647> : vector<1024xi32>
    %reduce_min3A_492 = vector.multi_reduction <minsi>, %reduce_min3A_490, %reduce_min3A_491 [0] : vector<8x1024xi32> to vector<1024xi32>
    %broadcast_in_dim3A_493 = vector.shape_cast %reduce_min3A_492 : vector<1024xi32> to vector<1x1024xi32>
    %reshape3A_494 = vector.shape_cast %broadcast_in_dim3A_493 : vector<1x1024xi32> to vector<1x1x1024xi32>
    %eq3A_495 = vector.broadcast %reshape3A_494 : vector<1x1x1024xi32> to vector<8x8x1024xi32>
    %eq3A_496 = arith.cmpi eq, %add3A_261, %eq3A_495 : vector<8x8x1024xi32>
    %jit3A_497 = arith.constant -1.000000e+30 : f32
    %broadcast_in_dim3A_498 = vector.broadcast %jit3A_497 : f32 to vector<8x8x1024xf32>
    %select_n3A_499 = arith.select %eq3A_496, %reshape3A, %broadcast_in_dim3A_498 : vector<8x8x1024xi1>, vector<8x8x1024xf32>
    %reduce_max3A_500 = arith.constant dense<0xFF800000> : vector<8x1024xf32>
    %reduce_max3A_501 = vector.multi_reduction <maximumf>, %select_n3A_499, %reduce_max3A_500 [1] : vector<8x8x1024xf32> to vector<8x1024xf32>
    %reduce_max3A_502 = arith.constant dense<0xFF800000> : vector<1024xf32>
    %reduce_max3A_503 = vector.multi_reduction <maximumf>, %reduce_max3A_501, %reduce_max3A_502 [0] : vector<8x1024xf32> to vector<1024xf32>
    %broadcast_in_dim3A_504 = vector.shape_cast %reduce_max3A_503 : vector<1024xf32> to vector<1x1024xf32>
    %concatenate3A_505 = tpu.concatenate %broadcast_in_dim3A_294, %broadcast_in_dim3A_324, %broadcast_in_dim3A_354, %broadcast_in_dim3A_384, %broadcast_in_dim3A_414, %broadcast_in_dim3A_444, %broadcast_in_dim3A_474, %broadcast_in_dim3A_504 in 0 : vector<1x1024xf32>, vector<1x1024xf32>, vector<1x1024xf32>, vector<1x1024xf32>, vector<1x1024xf32>, vector<1x1024xf32>, vector<1x1024xf32>, vector<1x1024xf32> -> vector<8x1024xf32>
    %concatenate3A_506 = tpu.concatenate %broadcast_in_dim3A_283, %broadcast_in_dim3A_313, %broadcast_in_dim3A_343, %broadcast_in_dim3A_373, %broadcast_in_dim3A_403, %broadcast_in_dim3A_433, %broadcast_in_dim3A_463, %broadcast_in_dim3A_493 in 0 : vector<1x1024xi32>, vector<1x1024xi32>, vector<1x1024xi32>, vector<1x1024xi32>, vector<1x1024xi32>, vector<1x1024xi32>, vector<1x1024xi32>, vector<1x1024xi32> -> vector<8x1024xi32>
    %reduce_sum3A = arith.constant dense<0.000000e+00> : vector<1024xf32>
    %reduce_sum3A_507 = vector.multi_reduction <add>, %concatenate3A_505, %reduce_sum3A [0] : vector<8x1024xf32> to vector<1024xf32>
    %broadcast_in_dim3A_508 = vector.shape_cast %reduce_sum3A_507 : vector<1024xf32> to vector<1x1024xf32>
    %add3A_509 = arith.constant 9.99999968E-21 : f32
    %add3A_510 = vector.broadcast %add3A_509 : f32 to vector<1x1024xf32>
    %add3A_511 = arith.addf %broadcast_in_dim3A_508, %add3A_510 : vector<1x1024xf32>
    %div3A = arith.constant 2.500000e+00 : f32
    %div3A_512 = vector.broadcast %div3A : f32 to vector<1x1024xf32>
    %div3A_513 = arith.divf %div3A_512, %add3A_511 : vector<1x1024xf32>
    %mul3A_514 = vector.broadcast %div3A_513 : vector<1x1024xf32> to vector<8x1024xf32>
    %mul3A_515 = arith.mulf %concatenate3A_505, %mul3A_514 : vector<8x1024xf32>
    %transpose3A_516 = tpu.transpose %mul3A_515, [1, 0] : vector<8x1024xf32> -> vector<1024x8xf32>
    %swap3A = arith.constant 0 : index
    %swap3A_517 = arith.constant 0 : index
    %swap3A_518 = vector.load %arg4[%swap3A, %swap3A_517] : memref<1024x8xf32, #tpu.memory_space<vmem>>, vector<1024x8xf32>
    tpu.vector_store %arg4[%swap3A, %swap3A_517], %transpose3A_516 {strides = array<i32>} : memref<1024x8xf32, #tpu.memory_space<vmem>>, vector<1024x8xf32>,
    %transpose3A_519 = tpu.transpose %concatenate3A_506, [1, 0] : vector<8x1024xi32> -> vector<1024x8xi32>
    %swap3A_520 = arith.constant 0 : index
    %swap3A_521 = arith.constant 0 : index
    %swap3A_522 = vector.load %arg5[%swap3A_520, %swap3A_521] : memref<1024x8xi32, #tpu.memory_space<vmem>>, vector<1024x8xi32>
    tpu.vector_store %arg5[%swap3A_520, %swap3A_521], %transpose3A_519 {strides = array<i32>} : memref<1024x8xi32, #tpu.memory_space<vmem>>, vector<1024x8xi32>,
    return
  }
  func.func @transform_0(%arg0: i32) -> (i32, i32) {
    %add3A = arith.constant 2 : i32
    %add3A_0 = arith.addi %arg0, %add3A : i32
    %c0_i32 = arith.constant 0 : i32
    %c0_i32_1 = arith.constant 0 : i32
    return %add3A_0, %c0_i32 : i32, i32
  }
  func.func @transform_1(%arg0: i32) -> (i32, i32) {
    %c0_i32 = arith.constant 0 : i32
    %c0_i32_0 = arith.constant 0 : i32
    %c0_i32_1 = arith.constant 0 : i32
    return %c0_i32, %c0_i32_0 : i32, i32
  }
  func.func @transform_2(%arg0: i32) -> (i32, i32) {
    %c0_i32 = arith.constant 0 : i32
    %c0_i32_0 = arith.constant 0 : i32
    %c0_i32_1 = arith.constant 0 : i32
    return %c0_i32, %c0_i32_0 : i32, i32
  }
  func.func @transform_3(%arg0: i32) -> (i32, i32) {
    %c0_i32 = arith.constant 0 : i32
    %c0_i32_0 = arith.constant 0 : i32
    return %arg0, %c0_i32 : i32, i32
  }
  func.func @transform_4(%arg0: i32) -> (i32, i32) {
    %c0_i32 = arith.constant 0 : i32
    %c0_i32_0 = arith.constant 0 : i32
    return %arg0, %c0_i32 : i32, i32
  }
}

</mosaic_0001>

<sc_bundles>
// kernel: kernel.5.cloned.1.call-start
scs
__scs_entry_jumppad:
0x0: {  	(pc) =	sbr.rel $0x88, $3  }
0x1: {  	(tag) =	ssettag $0x0;
	lr =	simm.s32 $0x1  }
0x2: {  	[smem:$0x3F9E] =	sst lr;
	_ =	strace $0xD0000000  }
0x3: {  	_ = 	snop  }
0x4: {  	_ = 	snop  }
0x5: {  	_ = 	snop  }
0x6: {  	_ = 	snop  }
0x7: {  	_ = 	snop  }
__scs_overlays_trampoline_lowered:
0x8: {  	[smem:$0x3FAD] =	sst s0  }
0x9: {  	[smem:$0x3FAE] =	sst s1  }
0xa: {  	[smem:$0x3FAF] =	sst s2  }
0xb: {  	[smem:$0x3FB0] =	sst s3  }
0xc: {  	[smem:$0x3FB1] =	sst s4  }
0xd: {  	[smem:$0x3FB2] =	sst s5  }
0xe: {  	[smem:$0x3FB3] =	sst s6  }
0xf: {  	[smem:$0x3FB4] =	sst s7  }
0x10: {  	[smem:$0x3FB5] =	sst s8  }
0x11: {  	[smem:$0x3FB6] =	sst s9;
	s0 =	simm.s32 @!p0 $0x0  }
0x12: {  	s1 =	sld [smem:$0x3F9C];
	s0 =	simm.s32 @p0 $0x1  }
0x13: {  	[smem:$0x3FB7] =	sst s0;
	s0 =	simm.s32 @!p1 $0x0  }
0x14: {  	s2 =	sld [smem:$0x3F9B];
	s0 =	simm.s32 @p1 $0x1  }
0x15: {  	[smem:$0x3FB8] =	sst s0;
	s0 =	simm.s32 @!p2 $0x0  }
0x16: {  	s3 =	sld [smem:$0x3FDB];
	s0 =	simm.s32 @p2 $0x1  }
0x17: {  	s4 =	simm.s32 $0x1BF5;
	[smem:$0x3FBA] =	sst s0  }
0x18: {  	s0 =	sld [smem:$0x3F9D];
	_ =	swait.ge [sflag:s4], $0x0  }
0x19: {  	s7 =	sld [smem:$0x3F9E]  }
0x1a: {  	s8 =	sadd.s32 $0xFFFFE003, lr  }
0x1b: {  	s9 =	sadd.s32 $0xFFFFFEF7, lr;
	s5 =	simm.s32 $0xFFFFFFFF;
	p2 =	slt.u32 s8, $0xFFFFF086  }
0x1c: {  	p1 =	slt.u32 s9, $0xF7A;
	s5 =	simm.s32 @!p2 $0x0  }
0x1d: {  	s5 =	simm.s32 @p1 $0x1;
	p0 =	seq.s32 s7, s2  }
0x1e: {  	s7 =	smul.u32 @!p0 $0xF7A, s2;
	p2 =	seq.s32 @!p0 s5, $0x0  }
0x1f: {  	s9 =	smul.u32 $0xF7A, s1;
	s8 =	simm.s32 @!p0 $0x1BF5;
	p2 =	por !p2, p0  }
0x20: {  	[sflag:s8] =	ssyncset.s32 @!p0 $0xFFFFF086;
	s6 =	sadd.s32 @!p0 s3, s7;
	s7 =	simm.s32 @!p0 $0x108  }
0x21: {  	s3 =	sadd.s32 s3, s9;
	s6 =	sadd.s32 @!p0 $0x88, s6;
	s7 =	simm.s32 @p2 $0x1082  }
0x22: {  	[simem:s7], [sflag:s8] =	dma.local @!p0 [hbm:s6], $0xF7A  }
0x23: {  	s9 =	sor.u32 $0xD0000000, s2;
	s6 =	simm.s32 $0x108;
	_ =	swait.ge @!p0 [sflag:s8], $0x0  }
0x24: {  	s3 =	sadd.s32 $0x88, s3;
	s6 =	simm.s32 @!p1 $0x1082;
	[sflag:s4] =	ssyncset.s32 $0xFFFFF086  }
0x25: {  	[simem:s6], [sflag:s4] =	dma.local [hbm:s3], $0xF7A  }
0x26: {  	[smem:$0x3F9E] =	sst s1;
	(tag) =	ssettag s2;
	_ =	strace s9  }
0x27: {  	s1 =	sld [smem:$0x3FAE]  }
0x28: {  	s2 =	sld [smem:$0x3FAF]  }
0x29: {  	s4 =	sld [smem:$0x3FB1]  }
0x2a: {  	p0 =	seq.s32 s5, $0x0;
	s5 =	sld [smem:$0x3FB2]  }
0x2b: {  	s6 =	sld [smem:$0x3FB3]  }
0x2c: {  	s7 =	sld [smem:$0x3FB4]  }
0x2d: {  	s3 =	simm.s32 $0x108;
	s8 =	sld [smem:$0x3FB5]  }
0x2e: {  	s3 =	simm.s32 @!p0 $0x1082;
	s9 =	sld [smem:$0x3FB6]  }
0x2f: {  	lr =	sadd.s32 s0, s3;
	s0 =	sld [smem:$0x3FAD]  }
0x30: {  	s3 =	sld [smem:$0x3FB0]  }
0x31: {  	[smem:$0x3FB9] =	sst s10  }
0x32: {  	s10 =	sld [smem:$0x3FB7];
	_ =	sdelay $0x3  }
0x33: {  	p0 =	seq.s32 s10, $0x1;
	s10 =	sld [smem:$0x3FB9];
	_ =	sdelay $0x3  }
0x34: {  	[smem:$0x3FB9] =	sst s10  }
0x35: {  	s10 =	sld [smem:$0x3FB8];
	_ =	sdelay $0x3  }
0x36: {  	p1 =	seq.s32 s10, $0x1;
	s10 =	sld [smem:$0x3FB9];
	_ =	sdelay $0x3  }
0x37: {  	[smem:$0x3FB9] =	sst s10  }
0x38: {  	s10 =	sld [smem:$0x3FBA]  }
0x39: {  	_ = 	snop;
	(pc) =	sbr.ind lr, $3  }
0x3a: {  	_ = 	snop  }
0x3b: {  	_ = 	snop  }
0x3c: {  	p2 =	seq.s32 s10, $0x1;
	s10 =	sld [smem:$0x3FB9]  }
0x3d: {  	_ =	shalt  }
0x3e: {  	_ =	shalt  }
0x3f: {  	_ =	shalt  }
0x40: {  	_ =	shalt  }
0x41: {  	_ =	shalt  }
0x42: {  	_ =	shalt  }
0x43: {  	_ =	shalt  }
0x44: {  	_ =	shalt  }
0x45: {  	_ =	shalt  }
0x46: {  	_ =	shalt  }
0x47: {  	_ =	shalt  }
0x48: {  	_ =	shalt  }
0x49: {  	_ =	shalt  }
0x4a: {  	_ =	shalt  }
0x4b: {  	_ =	shalt  }
0x4c: {  	_ =	shalt  }
0x4d: {  	_ =	shalt  }
0x4e: {  	_ =	shalt  }
0x4f: {  	_ =	shalt  }
0x50: {  	_ =	shalt  }
0x51: {  	_ =	shalt  }
0x52: {  	_ =	shalt  }
0x53: {  	_ =	shalt  }
0x54: {  	_ =	shalt  }
0x55: {  	_ =	shalt  }
0x56: {  	_ =	shalt  }
0x57: {  	_ =	shalt  }
0x58: {  	_ =	shalt  }
0x59: {  	_ =	shalt  }
0x5a: {  	_ =	shalt  }
0x5b: {  	_ =	shalt  }
0x5c: {  	_ =	shalt  }
0x5d: {  	_ =	shalt  }
0x5e: {  	_ =	shalt  }
0x5f: {  	_ =	shalt  }
0x60: {  	_ =	shalt  }
0x61: {  	_ =	shalt  }
0x62: {  	_ =	shalt  }
0x63: {  	_ =	shalt  }
0x64: {  	_ =	shalt  }
0x65: {  	_ =	shalt  }
0x66: {  	_ =	shalt  }
0x67: {  	_ =	shalt  }
0x68: {  	_ =	shalt  }
0x69: {  	_ =	shalt  }
0x6a: {  	_ =	shalt  }
0x6b: {  	_ =	shalt  }
0x6c: {  	_ =	shalt  }
0x6d: {  	_ =	shalt  }
0x6e: {  	_ =	shalt  }
0x6f: {  	_ =	shalt  }
0x70: {  	_ =	shalt  }
0x71: {  	_ =	shalt  }
0x72: {  	_ =	shalt  }
0x73: {  	_ =	shalt  }
0x74: {  	_ =	shalt  }
0x75: {  	_ =	shalt  }
0x76: {  	_ =	shalt  }
0x77: {  	_ =	shalt  }
0x78: {  	_ =	shalt  }
0x79: {  	_ =	shalt  }
0x7a: {  	_ =	shalt  }
0x7b: {  	_ =	shalt  }
0x7c: {  	_ =	shalt  }
0x7d: {  	_ =	shalt  }
0x7e: {  	_ =	shalt  }
0x7f: {  	_ =	shalt  }
0x80: {  	_ =	shalt  }
0x81: {  	_ =	shalt  }
0x82: {  	_ =	shalt  }
0x83: {  	_ =	shalt  }
0x84: {  	_ =	shalt  }
0x85: {  	_ =	shalt  }
0x86: {  	_ =	shalt  }
0x87: {  	_ =	shalt  }
.Lfunc_end0:
.L_simem_size_0:
called_computation_lowered:
.L_overlay_start_0:
0x88: {  	s2 =	sld [smem:$0x3FD9]  }
0x89: {  	s3 =	sld [smem:$0x3FFE];
	_ =	sdelay $0x1  }
0x8a: {  	s1 =	srdreg.scid  }
0x8b: {  	s0 =	sand.u32 $0x1, s1  }
0x8c: {  	s14 =	sshll.u32 s0, $0xA;
	s2 =	sadd.s32 s3, s2  }
0x8d: {  	s2 =	sadd.s32 s2, s14  }
0x8e: {  	[smem:$0x3FC5] =	sst s2  }
0x8f: {  	_ = 	snop  }
0x90: {  	s2 =	sld [smem:$0x3FD0];
	_ =	sdelay $0x2  }
0x91: {  	s4 =	simm.s32 $0xA;
	s5 =	simm.s32 $0x10;
	s15 =	sld [smem:$0x3FC7]  }
0x92: {  	[smem:s5], [sflag:s4] =	dma.local [hbm:s2], $0x1  }
0x93: {  	_ =	swait.eq [sflag:s4], $0x1  }
0x94: {  	[sflag:s4] =	ssyncset.done $0x0  }
0x95: {  	s16 =	sld [smem:$0x10];
	[sflag:s4] =	ssyncadd.s32 $0xFFFFFFFF  }
0x96: {  	s17 =	sld [smem:$0x11];
	(tm) =	ssettm $0x1  }
0x97: {  	s18 =	sld [smem:$0x3FFB];
	_ =	sdelay $0x3  }
0x98: {  	_ =	strace s18  }
0x99: {  	s5 =	sld [smem:$0x3FFC];
	_ =	sdelay $0x3  }
0x9a: {  	_ =	strace s5  }
0x9b: {  	s5 =	sld [smem:$0x3FFD];
	_ =	sdelay $0x3  }
0x9c: {  	_ =	strace s5  }
0x9d: {  	_ =	strace $0x8FFFFFFF  }
0x9e: {  	s19 =	sld [smem:$0x3FDB];
	_ =	sdelay $0x1  }
0x9f: {  	s6 =	simm.s32 $_scs_section_size  }
0xa0: {  	s7 =	simm.s32 $_size__tile_overlayer_lowered;
	s8 =	simm.s32 $_tile_overlayer_lowered  }
0xa1: {  	s22 =	simm.s32 $0x1BFF;
	s21 =	sshll.u32 s8, $0x1;
	s5 =	sadd.s32 s6, s19  }
0xa2: {  	s9 =	simm.s32 $0x0;
	s20 =	sshll.u32 s7, $0x1;
	s7 =	sadd.s32 s21, s5  }
0xa3: {  	[timem:s9], [sflag:s22] =	dma.local [hbm:s7], s20  }
0xa4: {  	_ =	swait.ge [sflag:s22], s20  }
0xa5: {  	s6 =	ssub.s32 $0x0, s20;
	[sflag:s22] =	ssyncset.done $0x0  }
0xa6: {  	[sflag:s22] =	ssyncadd.s32 s6;
	_ =	sdelay $0x1  }
0xa7: {  	s23 =	simm.s32 $0x1B8B  }
0xa8: {  	_ =	swait.ge [sflag:s23], $0x1  }
0xa9: {  	[sflag:s23] =	ssyncset.done $0x0  }
0xaa: {  	s25 =	simm.s32 $0x1B8E;
	s24 =	sld [smem:$0x3FFE];
	[sflag:s23] =	ssyncadd.s32 $0xFFFFFFFF  }
0xab: {  	s26 =	simm.s32 $execute0_lowered;
	[smem:$0x3FD2] =	sst s25  }
0xac: {  	s7 =	sshll.u32 s26, $0x1;
	_ =	strace $0x80000046;
	[dreg:$0x1] =	wrdreg $0xFFFFFFFF  }
0xad: {  	s28 =	simm.s32 $_size_execute0_lowered;
	s5 =	sadd.s32 s5, s7;
	[dreg:$0x0] =	wrdreg $0x0  }
0xae: {  	s7 =	sshll.u32 s28, $0x1;
	[dreg:$0x2] =	wrdreg s5  }
0xaf: {  	[dreg:$0x3] =	wrdreg s7  }
0xb0: {  	[dreg:$0x4] =	wrdreg $0xC0  }
0xb1: {  	_ =	task [dreg:s9], $0x5FFFF  }
0xb2: {  	[dreg:$0x1] =	wrdreg $0xFFFFFFFF  }
0xb3: {  	[dreg:$0x0] =	wrdreg $0x60  }
0xb4: {  	[dreg:$0x2] =	wrdreg s24  }
0xb5: {  	[dreg:$0x3] =	wrdreg s15  }
0xb6: {  	[dreg:$0x4] =	wrdreg s17  }
0xb7: {  	[dreg:$0x5] =	wrdreg s16  }
0xb8: {  	[dreg:$0x6] =	wrdreg $0x9  }
0xb9: {  	_ =	task.clear_ibuf [dreg:s9], $0x7FFFF;
	_ =	strace $0x90000046  }
0xba: {  	s29 =	simm.s32 $0x9;
	_ =	strace $0x80000048  }
0xbb: {  	_ =	swait.ge [sflag:s29], $0x1  }
0xbc: {  	[sflag:s29] =	ssyncadd.s32 $0xFFFFFFFF  }
0xbd: {  	_ =	strace $0x90000048  }
0xbe: {  	_ =	sfence  }
0xbf: {  	s30 =	sld [smem:$0x0];
	_ =	sdelay $0x2  }
0xc0: {  	s31 =	sshll.u32 s1, $0xD;
	s1 =	sshrl.u32 s1, $0x2  }
0xc1: {  	s3 =	sand.u32 $0x4000, s31;
	s1 =	sadd.s32 s1, s30  }
0xc2: {  	s0 =	sor.u32 s3, s0;
	s1 =	sshll.u32 s1, $0x11  }
0xc3: {  	s0 =	sor.u32 s1, s0  }
0xc4: {  	s0 =	sadd.s32 $0x8F2B, s0  }
0xc5: {  	[sflag:s0] =	ssyncadd.remote.s32 $0x1  }
0xc6: {  	_ =	sfence.sel $0xFFFF  }
0xc7: {  	[dreg:$0x0] =	wrdreg $0xFFFFFFFF;
	(pc) =	sbr.abs _section_cstart, $3  }
0xc8: {  	[dreg:$0x1] =	wrdreg $0xFFFFFFFF  }
0xc9: {  	_ =	task.clear_ibuf [dreg:s9], $0x2FFFF;
	_ =	strace $0x9FFFFFFF  }
0xca: {  	(tm) =	ssettm $0x7FFFFFFF  }
0xcb: {  	_ =	shalt  }
tec
execute0_lowered:
.L_overlay_start_1:
0x0: {  	(tag) =	ssettag $0x1  }
0x1: {  	v0 =	vimm.s32 $0xEFCDAB89;
	v1 =	vimm.s32 $0x67452301  }
0x2: {  	v2 =	vimm.s32 $0xDCFE98BA;
	v3 =	vimm.s32 $0xBA98FEDC;
	v4 =	vimm.s32 $0x32107654  }
0x3: {  	v5 =	vimm.f32 $-1.000000020e+30;
	v0 =	vunpack.c.l.s4.s8 v0;
	v1 =	vunpack.c.l.s4.s8 v1  }
0x4: {  	s4 =	rddreg [dreg:$0x0];
	vm0 =	vmmov $0x3;
	v3 =	vunpack.c.l.s4.s8 v3;
	v4 =	vunpack.c.l.s4.s8 v4  }
0x5: {  	s0 =	rddreg [dreg:$0x1];
	vm1 =	vcmask $0x720;
	v0 =	vunpack.c.0.s8.s32 v0;
	v1 =	vunpack.c.0.s8.s32 v1  }
0x6: {  	s5 =	rddreg [dreg:$0x2];
	vm2 =	vcmask $0xF20;
	v3 =	vunpack.c.0.s8.s32 v3;
	v4 =	vunpack.c.0.s8.s32 v4  }
0x7: {  	s6 =	rddreg [dreg:$0x3];
	v0 =	vcombine.low v1, v0;
	v1 =	vunpack.c.l.s4.s8 v2;
	v2 =	vimm.s32 $0x54761032  }
0x8: {  	s1 =	rddreg [dreg:$0x4];
	vm3 =	vcmask $0x1720;
	v7 =	vimm.s32 $0x1;
	v2 =	vunpack.c.l.s4.s8 v2  }
0x9: {  	s7 =	srdreg.scid;
	s2 =	stileid.u32;
	v8 =	vimm.s32 $0x2;
	v4 =	vcombine.low v4, v3;
	v0 =	vand.u32 $0xF, v0  }
0xa: {  	s3 =	simm.s32 $0x0;
	s11 =	simm.s32 $0x2280;
	s12 =	simm.s32 $0x0;
	v1 =	vunpack.c.0.s8.s32 v1;
	v2 =	vunpack.c.0.s8.s32 v2;
	v5 =	vperm.xlane v5, v0  }
0xb: {  	v10 =	vimm.s32 $0x3;
	vm4 =	vmmov $0xff;
	s7 =	sand.u32 $0x1, s7;
	s8 =	sshll.u32 s2, $0x1;
	[smem:$0x7FF] =	sst s3;
	v4 =	vand.u32 $0xF, v4  }
0xc: {  	s8 =	sor.u32 s7, s8;
	s7 =	ssub.s32 $0x2, s7;
	_ =	strace $0x80000047;
	v6 =	vcombine.low v2, v1;
	v1 =	vmax.f32 v5, $-1.000000020e+30;
	v2 =	vlaneseq.u32  }
0xd: {  	s9 =	sshll.u32 s8, $0xA;
	s10 =	sshrl.u32 s7, $0x1;
	s8 =	sshll.u32 s8, $0x6;
	v5 =	vand.u32 $0x1, v2;
	v9 =	vshrl.u32 v2, $0x3;
	v12 =	vor.u32 $0x10, v2  }
0xe: {  	s4 =	sadd.s32 s9, s4;
	s7 =	ssub.s32 s7, s10;
	s5 =	sadd.s32 s5, s8;
	v14 =	vor.u32 $0x20, v2;
	v16 =	vor.u32 $0x30, v2;
	v17 =	vand.u32 $0x7, v2  }
0xf: {  	s6 =	sadd.s32 s6, s8;
	s8 =	simm.s32 $0x1;
	s9 =	simm.s32 $0x2000;
	v3 =	vand.u32 $0xF, v6;
	v5 =	vmul.u32 $0x8, v5;
	v6 =	vimm.s32 $0x0  }
0x10: {  	s10 =	simm.s32 $0x2080;
	s4 =	sadd.s32 $0xE00, s4;
	s7 =	smax.u32 s7, $0x1;
	v11 =	vor.u32 $0x2, v9;
	v13 =	vor.u32 $0x4, v9;
	v15 =	vor.u32 $0x6, v9  }
.LBB2_1:
0x11: {  	[tilespmem:s3], [sflag:$0x1] =	stream.linear.gather [hbm4b:s4+s3], $0x2000, $0x38;
	[tilespmem:$0x2480] =	vst v63  }
0x12: {  	_ =	swait.ge [sflag:s8], $0x2000  }
0x13: {  	[sflag:s8] =	ssyncset.done $0x0  }
0x14: {  	[sflag:s8] =	ssyncadd.s32 $0xFFFFE000  }
0x15: {  	[tilespmem:s9], [sflag:$0x1] =	stream.linear.gather [hbm4b:s0+s3], $0x80, $0x38;
	[tilespmem:$0x2480] =	vst v63  }
0x16: {  	_ =	swait.ge [sflag:s8], $0x80  }
0x17: {  	[sflag:s8] =	ssyncset.done $0x0  }
0x18: {  	[sflag:s8] =	ssyncadd.s32 $0xFFFFFF80  }
0x19: {  	v18 =	vld [tilespmem:$0x2000]  }
0x1a: {  	v19 =	vld [tilespmem:$0x2010]  }
0x1b: {  	s13 =	simm.s32 $0x80;
	v20 =	vld [tilespmem:$0x2020]  }
0x1c: {  	s14 =	simm.s32 $0x2280;
	s15 =	simm.s32 $0x2080;
	s16 =	simm.s32 $0x0;
	v21 =	vld [tilespmem:$0x2030]  }
.LBB2_2:
0x1d: {  	v22 =	vld [tilespmem:s13+$0xFFFFFF80]  }
0x1e: {  	v23 =	vld [tilespmem:s13+$0xFFFFFF90]  }
0x1f: {  	v25 =	vld [tilespmem:s13+$0xFFFFFFA0];
	_ =	sdelay $0x3  }
0x20: {  	v22 =	vadd.f32 v22, v18;
	v23 =	vadd.f32 v23, v19  }
0x21: {  	v25 =	vadd.f32 v25, v20  }
0x22: {  	v24 =	vperm.xlane v22, v0;
	v45 =	vperm.xlane v23, v0  }
0x23: {  	v51 =	vperm.xlane v25, v0  }
0x24: {  	v26 =	vmin.f32 v22, v24;
	v24 =	vmax.f32 v22, v24;
	v31 =	vmin.f32 v23, v45  }
0x25: {  	v47 =	vld [tilespmem:s13+$0xFFFFFFB0];
	v54 =	vmax.f32 v25, v51;
	v26 =	vmax.f32 v26, v1;
	v27 =	vperm.xlane v24, v3  }
0x26: {  	v31 =	vmax.f32 v31, v1;
	v34 =	vperm.xlane v54, v3;
	v28 =	vperm.xlane v26, v3  }
0x27: {  	v48 =	vperm.xlane v31, v3;
	v29 =	vmin.f32 v24, v27;
	v24 =	vmax.f32 v24, v27  }
0x28: {  	v27 =	vmax.f32 v23, v45;
	v57 =	vmin.f32 v54, v34;
	v26 =	vmax.f32 v26, v28  }
0x29: {  	v46 =	vperm.xlane v24, v4;
	v33 =	vperm.xlane v27, v3;
	v26 =	vmax.f32 v29, v26  }
0x2a: {  	v28 =	vmax.f32 v31, v48;
	v29 =	vadd.f32 v47, v21;
	v30 =	vperm.xlane v26, v4  }
0x2b: {  	v32 =	vmin.f32 v24, v46;
	v49 =	vmin.f32 v27, v33;
	v27 =	vmax.f32 v27, v33  }
0x2c: {  	v24 =	vmax.f32 v24, v46;
	v33 =	vmax.f32 v54, v34;
	v50 =	vperm.xlane v27, v4  }
0x2d: {  	v52 =	vmax.f32 v49, v28;
	v35 =	vperm.xlane v29, v0;
	v26 =	vmax.f32 v26, v30  }
0x2e: {  	v61 =	vperm.xlane v33, v4;
	v28 =	vperm.xlane v52, v4;
	v26 =	vmax.f32 v32, v26  }
0x2f: {  	v53 =	vmin.f32 v27, v50;
	v32 =	vmin.f32 v25, v51;
	v27 =	vmax.f32 v27, v50  }
0x30: {  	v36 =	vmin.f32 v29, v35;
	v58 =	vmax.f32 v29, v35;
	v55 =	vmax.f32 v32, v1  }
0x31: {  	v63 =	vmin.f32 v33, v61;
	v59 =	vmax.f32 v36, v1;
	v56 =	vperm.xlane v55, v3  }
0x32: {  	v41 =	vmax.f32 v33, v61;
	v60 =	vperm.xlane v58, v3;
	v36 =	vperm.xlane v59, v3  }
0x33: {  	v24 =	vadd.f32 v26, v24;
	v26 =	vmax.f32 v52, v28;
	v28 =	vmax.f32 v55, v56  }
0x34: {  	v62 =	vmin.f32 v58, v60;
	v35 =	vmax.f32 v59, v36;
	v28 =	vmax.f32 v57, v28  }
0x35: {  	v31 =	vmax.f32 v58, v60;
	v35 =	vmax.f32 v62, v35;
	v32 =	vperm.xlane v28, v4  }
0x36: {  	v26 =	vmax.f32 v53, v26;
	v40 =	vperm.xlane v31, v4;
	v36 =	vperm.xlane v35, v4  }
0x37: {  	v26 =	vadd.f32 v26, v27;
	v24 =	vperm.xlane v24, v5;
	v28 =	vmax.f32 v28, v32  }
0x38: {  	v42 =	vmin.f32 v31, v40;
	v43 =	vmax.f32 v35, v36;
	v28 =	vmax.f32 v63, v28  }
0x39: {  	v31 =	vmax.f32 v31, v40;
	v27 =	vadd.f32 v28, v41;
	v28 =	vmax.f32 v42, v43  }
0x3a: {  	v26 =	vperm.xlane v26, v5;
	v28 =	vadd.f32 v28, v31  }
0x3b: {  	v24 =	vnsel vm0, $0xF149F2CA, v24;
	v27 =	vperm.xlane v27, v5  }
0x3c: {  	v24 =	vsel vm1, v24, v26;
	v44 =	vperm.xlane v28, v5  }
0x3d: {  	v24 =	vsel vm2, v24, v27  }
0x3e: {  	v24 =	vsel vm3, v24, v44  }
0x3f: {  	(xrf1) =	vsort.dscd.msk.f32 $0xffff, v24, v2;
	_ =	sdelay $0xd  }
0x40: {  	_, v24, _ =	vpop (xrf1)  }
0x41: {  	v45 =	vperm.xlane v24, v6;
	v46 =	vperm.xlane v24, v7  }
0x42: {  	v47 =	vperm.xlane v24, v8  }
0x43: {  	v24 =	vperm.xlane v24, v10;
	vm5 =	veq.s32 v45, v9;
	vm6 =	veq.s32 v46, v9  }
0x44: {  	vm7 =	veq.s32 v45, v11;
	vm5 =	vmor vm5, vm6;
	vm6 =	veq.s32 v47, v9  }
0x45: {  	vm8 =	veq.s32 v46, v11;
	vm5 =	vmor vm5, vm6;
	vm6 =	veq.s32 v24, v9  }
0x46: {  	vm5 =	vmor vm5, vm6;
	vm6 =	vmor vm7, vm8;
	vm7 =	veq.s32 v47, v11  }
0x47: {  	v22 =	vnsel vm5, $0x0, v22;
	vm5 =	vmor vm6, vm7;
	vm6 =	veq.s32 v24, v11  }
0x48: {  	vm5 =	vmor vm5, vm6  }
0x49: {  	vm7 =	veq.s32 v46, v13;
	vm6 =	veq.s32 v45, v13;
	(xrf1) =	vsort.dscd.msk.f32 $0xffff, v22, v2;
	v23 =	vnsel vm5, $0x0, v23  }
0x4a: {  	vm5 =	vmor vm6, vm7;
	vm6 =	veq.s32 v47, v13;
	(xrf1) =	vsort.dscd.msk.f32 $0xffff, v23, v12  }
0x4b: {  	vm7 =	veq.s32 v46, v15;
	vm5 =	vmor vm5, vm6;
	vm6 =	veq.s32 v45, v15  }
0x4c: {  	v53 =	vld [tilespmem:s13+$0x10];
	vm13 =	veq.s32 v24, v13;
	vm6 =	vmor vm6, vm7;
	vm7 =	veq.s32 v47, v15  }
0x4d: {  	vm5 =	vmor vm5, vm13;
	vm6 =	vmor vm6, vm7;
	vm7 =	veq.s32 v24, v15  }
0x4e: {  	v22 =	vnsel vm5, $0x0, v25;
	vm5 =	vmor vm6, vm7  }
0x4f: {  	(xrf1) =	vsort.dscd.msk.f32 $0xffff, v22, v14;
	v22 =	vnsel vm5, $0x0, v29  }
0x50: {  	(xrf1) =	vsort.dscd.msk.f32 $0xffff, v22, v16;
	v22 =	vld [tilespmem:s13+$0x0]  }
0x51: {  	v28 =	vadd.f32 v53, v19;
	_ =	sdelay $0x1  }
0x52: {  	v36 =	vperm.xlane v28, v0;
	_ =	sdelay $0x1  }
0x53: {  	v27 =	vmax.f32 v28, v36;
	v22 =	vadd.f32 v22, v18  }
0x54: {  	v38 =	vld [tilespmem:s13+$0x30];
	v40 =	vmin.f32 v28, v36;
	v42 =	vperm.xlane v27, v3  }
0x55: {  	v58 =	vld [tilespmem:s13+$0x20];
	v31 =	vmax.f32 v40, v1;
	v23, v48, _ =	vpop (xrf1);
	v56 =	vperm.xlane v22, v0  }
0x56: {  	v43 =	vperm.xlane v31, v3;
	v44 =	vmin.f32 v27, v42;
	v50, v49, _ =	vpop (xrf1)  }
0x57: {  	v27 =	vmax.f32 v27, v42;
	v59 =	vmin.f32 v22, v56;
	v25 =	vperm.xlane v50, v17  }
0x58: {  	v45 =	vperm.xlane v27, v4;
	v26 =	vperm.xlane v49, v17;
	v60 =	vmax.f32 v59, v1  }
0x59: {  	v29 =	vadd.f32 v38, v21;
	v62 =	vperm.xlane v60, v3;
	v23 =	vsel vm4, v23, v25  }
0x5a: {  	v24 =	vsel vm4, v48, v26;
	v25 =	vmax.f32 v22, v56;
	v26 =	vadd.f32 v58, v20  }
0x5b: {  	v51, v52, _ =	vpop (xrf1);
	v48 =	vmin.f32 v27, v45;
	v27 =	vmax.f32 v27, v45;
	v61 =	vperm.xlane v25, v3  }
0x5c: {  	(xrf1) =	vsort.dscd.msk.f32 $0xffff, v23, v24;
	v35 =	vmax.f32 v60, v62;
	v54, v55, _ =	vpop (xrf1);
	v46 =	vperm.xlane v26, v0  }
0x5d: {  	v23 =	vperm.xlane v54, v17;
	v57 =	vperm.xlane v55, v17;
	v63 =	vmax.f32 v25, v61  }
0x5e: {  	v37 =	vperm.xlane v63, v4;
	v49 =	vmax.f32 v26, v46;
	v32 =	vmin.f32 v26, v46  }
0x5f: {  	v23 =	vsel vm4, v51, v23;
	v24 =	vsel vm4, v52, v57;
	v50 =	vperm.xlane v49, v3  }
0x60: {  	v51 =	vperm.xlane v29, v0;
	v52 =	vmax.f32 v32, v1;
	(xrf1) =	vsort.dscd.msk.f32 $0xffff, v23, v24  }
0x61: {  	v23 =	vmin.f32 v25, v61;
	v41 =	vmin.f32 v63, v37;
	v24 =	vmax.f32 v63, v37  }
0x62: {  	v25 =	vmax.f32 v31, v43;
	v53 =	vperm.xlane v52, v3;
	v23 =	vmax.f32 v23, v35  }
0x63: {  	v47 =	vmax.f32 v44, v25;
	v54 =	vmin.f32 v49, v50;
	v39 =	vperm.xlane v23, v4  }
0x64: {  	v55 =	vmin.f32 v29, v51;
	v33 =	vmax.f32 v49, v50;
	v56 =	vmax.f32 v29, v51  }
0x65: {  	v25 =	vperm.xlane v47, v4;
	v57 =	vmax.f32 v55, v1;
	v23 =	vmax.f32 v23, v39  }
0x66: {  	v58 =	vperm.xlane v56, v3;
	v36 =	vperm.xlane v57, v3;
	v23 =	vmax.f32 v41, v23  }
0x67: {  	v23 =	vadd.f32 v23, v24;
	v24 =	vmax.f32 v47, v25;
	v25 =	vmax.f32 v52, v53  }
0x68: {  	v59 =	vperm.xlane v33, v4;
	v60 =	vmin.f32 v56, v58;
	v25 =	vmax.f32 v54, v25  }
0x69: {  	v31 =	vmax.f32 v56, v58;
	v35 =	vmax.f32 v57, v36;
	v32 =	vperm.xlane v25, v4  }
0x6a: {  	v61 =	vmin.f32 v33, v59;
	v62 =	vperm.xlane v31, v4;
	v35 =	vmax.f32 v60, v35  }
0x6b: {  	v63 =	vmax.f32 v33, v59;
	v36 =	vperm.xlane v35, v4;
	v25 =	vmax.f32 v25, v32  }
0x6c: {  	v24 =	vmax.f32 v48, v24;
	v37 =	vmin.f32 v31, v62;
	v25 =	vmax.f32 v61, v25  }
0x6d: {  	v24 =	vadd.f32 v24, v27;
	v38 =	vmax.f32 v35, v36;
	v25 =	vadd.f32 v25, v63  }
0x6e: {  	v31 =	vmax.f32 v31, v62;
	v23 =	vperm.xlane v23, v5;
	v30, v33, _ =	vpop (xrf1);
	v27 =	vmax.f32 v37, v38  }
0x6f: {  	v24 =	vperm.xlane v24, v5;
	v27 =	vadd.f32 v27, v31;
	v40, v39, _ =	vpop (xrf1);
	v25 =	vperm.xlane v25, v5  }
0x70: {  	v23 =	vnsel vm0, $0xF149F2CA, v23;
	v32 =	vperm.xlane v40, v17;
	v41 =	vperm.xlane v39, v17  }
0x71: {  	v23 =	vsel vm1, v23, v24;
	v42 =	vperm.xlane v27, v5  }
0x72: {  	v23 =	vsel vm2, v23, v25;
	v43 =	vsel vm4, v30, v32;
	v44 =	vsel vm4, v33, v41  }
0x73: {  	v23 =	vsel vm3, v23, v42;
	(xrf1) =	vsort.dscd.msk.f32 $0xffff, v43, v44  }
0x74: {  	(xrf1) =	vsort.dscd.msk.f32 $0xffff, v23, v2;
	_ =	sdelay $0xc  }
0x75: {  	_, v23, _ =	vpop (xrf1)  }
0x76: {  	_, v45, _ =	vpop (xrf1)  }
0x77: {  	v46 =	vperm.xlane v45, v6;
	v47 =	vperm.xlane v45, v7  }
0x78: {  	v48 =	vperm.xlane v45, v8  }
0x79: {  	v24 =	vperm.xlane v45, v10;
	vm5 =	veq.s32 v46, v9;
	vm6 =	veq.s32 v47, v9  }
0x7a: {  	vm7 =	veq.s32 v46, v11;
	vm5 =	vmor vm5, vm6;
	vm6 =	veq.s32 v48, v9  }
0x7b: {  	vm14 =	veq.s32 v47, v11;
	vm5 =	vmor vm5, vm6;
	vm6 =	veq.s32 v24, v9  }
0x7c: {  	vm5 =	vmor vm5, vm6;
	vm6 =	vmor vm7, vm14;
	vm7 =	veq.s32 v48, v11  }
0x7d: {  	v22 =	vnsel vm5, $0x0, v22;
	vm5 =	vmor vm6, vm7;
	vm6 =	veq.s32 v24, v11  }
0x7e: {  	vm7 =	veq.s32 v47, v13;
	vm5 =	vmor vm5, vm6;
	vm6 =	veq.s32 v46, v13  }
0x7f: {  	v28 =	vnsel vm5, $0x0, v28;
	vm5 =	vmor vm6, vm7;
	vm6 =	veq.s32 v48, v13  }
0x80: {  	vm7 =	veq.s32 v47, v15;
	vm5 =	vmor vm5, vm6;
	vm6 =	veq.s32 v46, v15  }
0x81: {  	vm15 =	veq.s32 v24, v13;
	vm6 =	vmor vm6, vm7;
	vm7 =	veq.s32 v48, v15  }
0x82: {  	(xrf1) =	vsort.dscd.msk.f32 $0xffff, v22, v2;
	vm5 =	vmor vm5, vm15;
	vm6 =	vmor vm6, vm7;
	vm7 =	veq.s32 v24, v15  }
0x83: {  	(xrf1) =	vsort.dscd.msk.f32 $0xffff, v28, v12;
	v22 =	vnsel vm5, $0x0, v26;
	vm5 =	vmor vm6, vm7  }
0x84: {  	(xrf1) =	vsort.dscd.msk.f32 $0xffff, v22, v14;
	v22 =	vnsel vm5, $0x0, v29  }
0x85: {  	(xrf1) =	vsort.dscd.msk.f32 $0xffff, v22, v16;
	_ =	sdelay $0xa  }
0x86: {  	v22, v49, _ =	vpop (xrf1)  }
0x87: {  	v50, v51, _ =	vpop (xrf1)  }
0x88: {  	v52, v53, _ =	vpop (xrf1)  }
0x89: {  	v25 =	vperm.xlane v50, v17;
	v26 =	vperm.xlane v51, v17;
	v55, v54, _ =	vpop (xrf1)  }
0x8a: {  	v29 =	vperm.xlane v55, v17;
	v30 =	vperm.xlane v54, v17  }
0x8b: {  	v22 =	vsel vm4, v22, v25;
	v24 =	vsel vm4, v49, v26  }
0x8c: {  	(xrf1) =	vsort.dscd.msk.f32 $0xffff, v22, v24;
	v22 =	vsel vm4, v52, v29;
	v56 =	vsel vm4, v53, v30  }
0x8d: {  	(xrf1) =	vsort.dscd.msk.f32 $0xffff, v22, v56;
	_ =	sdelay $0xc  }
0x8e: {  	v22, v24, _ =	vpop (xrf1)  }
0x8f: {  	v57, v58, _ =	vpop (xrf1)  }
0x90: {  	v25 =	vperm.xlane v57, v17;
	v26 =	vperm.xlane v58, v17;
	_ =	sdelay $0x1  }
0x91: {  	v22 =	vsel vm4, v22, v25;
	v24 =	vsel vm4, v24, v26  }
0x92: {  	(xrf1) =	vsort.dscd.msk.f32 $0xffff, v22, v24;
	_ =	sdelay $0xd  }
0x93: {  	s17 =	sshll.u32 s16, $0x7;
	v22 =	vand.u32 $0xFFFFFF80, v23;
	_, v24, _ =	vpop (xrf1)  }
0x94: {  	v59 =	vand.u32 $0x7F, v23;
	v22 =	vadd.s32 s17, v22;
	s17 =	sadd.s32 $0x80, s17;
	v60 =	vand.u32 $0xFFFFFF80, v24  }
0x95: {  	v22 =	vor.u32 v59, v22;
	v61 =	vand.u32 $0x7F, v24;
	v26 =	vadd.s32 s17, v60  }
0x96: {  	v25 =	vor.u32 v61, v26;
	_ =	sdelay $0x3  }
0x97: {  	v22 =	vld.idx.msk [tilespmem:v22+s3+$0x0], $0xffff  }
0x98: {  	v25 =	vld.idx.msk [tilespmem:v25+s3+$0x0], $0xffff;
	_ =	sdelay $0x3  }
0x99: {  	v62 =	vnsel vm4, $0x0, v22  }
0x9a: {  	(xrf2) =	vadd.scan.msk.f32 $0xffff, v62;
	v25 =	vnsel vm4, $0x0, v25  }
0x9b: {  	(xrf2) =	vadd.scan.msk.f32 $0xffff, v25;
	_ =	sdelay $0x8  }
0x9c: {  	v26, _, _ =	vpop (xrf2)  }
0x9d: {  	v26 =	vadd.f32 $9.999999680e-21, v26;
	v63, _, _ =	vpop (xrf2)  }
0x9e: {  	v27 =	vadd.f32 $9.999999680e-21, v63  }
0x9f: {  	v26 =	vbroadcast v26, $0xF  }
0xa0: {  	v27 =	vbroadcast v27, $0xF  }
0xa1: {  	(erf) = vrcp.f32 v26  }
0xa2: {  	(erf) = vrcp.f32 v27;
	_ =	sdelay $0x7  }
0xa3: {  	v26 =	vpop (erf)  }
0xa4: {  	v27 =	vpop (erf)  }
0xa5: {  	v27 =	vmul.f32 $2.500000000e+00, v27;
	_ =	sdelay $0x1  }
0xa6: {  	v26 =	vmul.f32 $2.500000000e+00, v26;
	v25 =	vmul.f32 v27, v25  }
0xa7: {  	p0 =	sne.s32 s16, $0x3E  }
.Ltmp0:
0xa8: {  	v22 =	vmul.f32 v26, v22;
	v25 =	vperm.xlane v25, v17;
	(pc) =	sbr.rel @p0 .LBB2_2-.Ltmp0, $4  }
0xa9: {  	v24 =	vperm.xlane v24, v17  }
0xaa: {  	v22 =	vsel vm4, v22, v25  }
0xab: {  	s16 =	sadd.s32 $0x2, s16;
	v23 =	vsel vm4, v23, v24;
	[tilespmem:s15+$0x0] =	vst v22  }
0xac: {  	s13 =	sadd.s32 $0x100, s13;
	s15 =	sadd.s32 $0x10, s15;
	[tilespmem:s14+$0x0] =	vst v23;
	s14 =	sadd.s32 $0x10, s14  }
0xad: {  	[hbm4b:s5+s3] =	stream.linear.scatter [tilespmem:s10], [sflag:$0x1], $0x200, $0x38;
	[tilespmem:$0x2480] =	vst v63  }
0xae: {  	s12 =	sadd.s32 $0x1, s12;
	_ =	swait.ge [sflag:s8], $0x200  }
0xaf: {  	p0 =	sne.s32 s12, s7;
	[sflag:s8] =	ssyncset.done $0x0  }
.Ltmp1:
0xb0: {  	[sflag:s8] =	ssyncadd.s32 $0xFFFFFE00;
	(pc) =	sbr.rel @p0 .LBB2_1-.Ltmp1, $4  }
0xb1: {  	[hbm4b:s6+s3] =	stream.linear.scatter [tilespmem:s11], [sflag:$0x1], $0x200, $0x38;
	[tilespmem:$0x2480] =	vst v63  }
0xb2: {  	_ =	swait.ge [sflag:s8], $0x200  }
0xb3: {  	[sflag:s8] =	ssyncset.done $0x0  }
0xb4: {  	[sflag:s8] =	ssyncadd.s32 $0xFFFFFE00  }
0xb5: {  	_ =	sfence.sel $0x180000  }
0xb6: {  	[bflag:$0x0] =	sbarrier.arrive $0xFFFF  }
0xb7: {  	p0 =	sne.s32 s2, $0x0;
	_ =	strace $0x90000047  }
0xb8: {  	s0 =	sadd.s32 @!p0 $0x100000, s1;
	[bflag:$0x2] =	sbarrier.arrive $0xFFFF  }
0xb9: {  	[sflag:s0] =	ssyncadd.tile.s32 @!p0 $0x1;
	_ =	shalt  }
.Lfunc_end2:
_tile_overlayer_lowered:
.L_overlay_start_2:
0xba: {  	(tag) =	ssettag $0x2  }
0xbb: {  	s0 =	rddreg [dreg:$0x0];
	s2 =	stileid.u32  }
0xbc: {  	s1 =	rddreg [dreg:$0x1];
	p0 =	sne.s32 s2, $0x0  }
0xbd: {  	s3 =	rddreg [dreg:$0x2];
	[bflag:$0x3] =	sbarrier.arrive $0xFFFF;
	s2 =	simm.s32 @!p0 $0x1C01  }
0xbe: {  	[timem:s3], [sflag:s2] =	dma.local @!p0 [hbm:s0], s1  }
0xbf: {  	s0 =	simm.s32 @!p0 $0x1  }
0xc0: {  	_ =	swait.ge @!p0 [sflag:s0], s1  }
0xc1: {  	s1 =	ssub.s32 @!p0 $0x0, s1;
	[sflag:s0] =	ssyncset.done @!p0 $0x0  }
0xc2: {  	[sflag:s0] =	ssyncadd.s32 @!p0 s1  }
0xc3: {  	[bflag:$0x3] =	sbarrier.arrive $0xFFFF  }
0xc4: {  	_ =	shalt  }

</sc_bundles>
